<compile_context>
chip_gen: v7x
topology: tpu7x:2x2x1
jax: 0.10.2.dev20260603
libtpu: 0.0.44.dev20260713+nightly
codegen_flags: <defaults>
</compile_context>

<pallas_src>
import functools

import jax
import jax.numpy as jnp
from jax import lax
from jax.experimental import pallas as pl
from jax.experimental.pallas import tpu as pltpu
from jax.experimental.pallas import tpu_sc as plsc

GRID_NUM = 8
VOXEL = 0.04
OFFSET = GRID_NUM * VOXEL / 2.0
RADIUS = (GRID_NUM + 1) * VOXEL / 2.0
R2 = RADIUS * RADIUS
NCELL = GRID_NUM ** 3

NUM_CORES = 2
NUM_SUBCORES = 16
NW = NUM_CORES * NUM_SUBCORES
LANES = 16


def _tc_body(x0_ref, x1_ref, pos0_ref, pos1_ref, pos1t_ref, pad_ref,
             prob_ref, flow_ref):
    x0b = x0_ref[0]
    x1b = x1_ref[0]
    c = x0b.shape[-1]
    s = lax.dot_general(x0b, x1b, (((1,), (1,)), ((), ())),
                        preferred_element_type=jnp.float32)
    s = s * jnp.float32(1.0 / (c ** 0.5))
    p0 = pos0_ref[0]
    p1 = pos1_ref[0]
    p1t = pos1t_ref[0]
    l1 = p1.shape[0]
    d0 = (p0[:, 0:1] * p0[:, 0:1] + p0[:, 1:2] * p0[:, 1:2]
          + p0[:, 2:3] * p0[:, 2:3])
    d1 = (p1t[0:1, :] * p1t[0:1, :] + p1t[1:2, :] * p1t[1:2, :]
          + p1t[2:3, :] * p1t[2:3, :])
    ones1 = jnp.ones((l1, 1), jnp.float32)
    cross = lax.dot_general(p0, p1, (((1,), (1,)), ((), ())),
                            preferred_element_type=jnp.float32)
    dist2 = (d0 + d1) - 2.0 * cross
    pad = pad_ref[0]
    mask = (dist2 <= jnp.float32(R2)) & (pad == 0.0)
    s_m = jnp.where(mask, s, 0.0)
    neg = jnp.float32(-jnp.inf)
    mrow = jnp.max(jnp.where(mask, s_m, neg), axis=1, keepdims=True)
    m0 = jnp.where(mrow == neg, 0.0, mrow)
    e = jnp.where(mask, jnp.exp(s_m - m0), 0.0)
    ssum = jnp.sum(e, axis=1, keepdims=True)
    prob = e / jnp.where(ssum > 0.0, ssum, 1.0)
    prob_ref[0] = prob
    p1aug = jnp.concatenate([p1, ones1], axis=1)
    fa = lax.dot_general(prob, p1aug, (((1,), (0,)), ((), ())),
                         preferred_element_type=jnp.float32,
                         precision=lax.Precision.HIGHEST)
    flow_ref[0] = fa[:, :3] - p0 * fa[:, 3:4]


def _tc_call(x0, x1, pos0, pos1, pos1t, padf, bm):
    B, L0, C = x0.shape
    L1 = x1.shape[1]
    grid = (B, L0 // bm)
    return pl.pallas_call(
        _tc_body,
        grid=grid,
        in_specs=[
            pl.BlockSpec((1, bm, C), lambda b, m: (b, m, 0)),
            pl.BlockSpec((1, L1, C), lambda b, m: (b, 0, 0)),
            pl.BlockSpec((1, bm, 3), lambda b, m: (b, m, 0)),
            pl.BlockSpec((1, L1, 3), lambda b, m: (b, 0, 0)),
            pl.BlockSpec((1, 3, L1), lambda b, m: (b, 0, 0)),
            pl.BlockSpec((1, 1, L1), lambda b, m: (b, 0, 0)),
        ],
        out_specs=[
            pl.BlockSpec((1, bm, L1), lambda b, m: (b, m, 0)),
            pl.BlockSpec((1, bm, 3), lambda b, m: (b, m, 0)),
        ],
        out_shape=[
            jax.ShapeDtypeStruct((B, L0, L1), jnp.float32),
            jax.ShapeDtypeStruct((B, L0, 3), jnp.float32),
        ],
    )(x0, x1, pos0, pos1, pos1t, padf)


def _sc_splat_body(nq, l1, qpw, qb,
                   prob_hbm, u1_hbm, v0x_hbm, v0y_hbm, v0z_hbm, out_hbm,
                   prob_v, u1_v, v0x_v, v0y_v, v0z_v,
                   jl_v, acc_v):
    wid = lax.axis_index("s") * NUM_CORES + lax.axis_index("c")
    qbase = wid * qpw
    batch = qbase // l1
    iota = lax.iota(jnp.int32, LANES)
    zeros16 = jnp.zeros((LANES,), jnp.float32)

    pltpu.sync_copy(u1_hbm.at[batch], u1_v)
    pltpu.sync_copy(v0x_hbm.at[pl.ds(qbase, qpw)], v0x_v)
    pltpu.sync_copy(v0y_hbm.at[pl.ds(qbase, qpw)], v0y_v)
    pltpu.sync_copy(v0z_hbm.at[pl.ds(qbase, qpw)], v0z_v)
    ax0 = jnp.zeros((LANES,), jnp.int32)
    ax1 = jnp.full((LANES,), 1, jnp.int32)
    ax2 = jnp.full((LANES,), 2, jnp.int32)

    nblk = qpw // qb
    nvec = l1 // LANES

    def blk_body(blk, carry):
        q0 = qbase + blk * qb
        pltpu.sync_copy(prob_hbm.at[pl.ds(q0, qb)], prob_v)

        def zero_body(k):
            acc_v[k // (NCELL // LANES),
                  pl.ds((k % (NCELL // LANES)) * LANES, LANES)] = zeros16
        plsc.parallel_loop(0, qb * (NCELL // LANES), 1,
                           unroll=4)(zero_body)

        def q_body(ql, carry2):
            qloc = blk * qb + ql

            def scan_body(kk, off):
                pv = prob_v[ql, pl.ds(kk * LANES, LANES)]
                m = pv > 0.0
                csum = jnp.cumsum(m.astype(jnp.int32))
                posv = off + csum - 1
                packed = (plsc.bitcast(pv, jnp.int32)
                          & jnp.int32(~1023)) | (kk * LANES + iota)
                plsc.store_scatter(jl_v, [posv], packed, mask=m)
                return off + csum[LANES - 1]
            n = plsc.parallel_loop(0, nvec, 1, unroll=4,
                                   carry=jnp.int32(0))(scan_body)

            qsplat = jnp.full((LANES,), qloc, jnp.int32)
            bx = plsc.load_gather(v0x_v, [qsplat])
            by = plsc.load_gather(v0y_v, [qsplat])
            bz = plsc.load_gather(v0z_v, [qsplat])
            ngroups = (n + (LANES - 1)) // LANES

            def splat_body(g):
                base = g * LANES
                valid = (base + iota) < n
                packed = jl_v[pl.ds(base, LANES)]
                jv = packed & jnp.int32(1023)
                pv = plsc.bitcast(packed & jnp.int32(~1023), jnp.float32)
                gx = plsc.load_gather(u1_v, [ax0, jv], mask=valid) - bx
                gy = plsc.load_gather(u1_v, [ax1, jv], mask=valid) - by
                gz = plsc.load_gather(u1_v, [ax2, jv], mask=valid) - bz
                bix = (gx + 16.0).astype(jnp.int32) - 16
                biy = (gy + 16.0).astype(jnp.int32) - 16
                biz = (gz + 16.0).astype(jnp.int32) - 16
                fx = gx - bix.astype(jnp.float32)
                fy = gy - biy.astype(jnp.float32)
                fz = gz - biz.astype(jnp.float32)
                wy0 = 1.0 - fy
                wz0 = 1.0 - fz
                a0 = pv * (1.0 - fx)
                a1 = pv * fx
                fbase = (bix * GRID_NUM + biy) * GRID_NUM + biz
                inx0 = (bix >= 0) & (bix < GRID_NUM)
                inx1 = (bix >= -1) & (bix < GRID_NUM - 1)
                iny0 = (biy >= 0) & (biy < GRID_NUM)
                iny1 = (biy >= -1) & (biy < GRID_NUM - 1)
                inz0 = (biz >= 0) & (biz < GRID_NUM)
                inz1 = (biz >= -1) & (biz < GRID_NUM - 1)
                qlvec = jnp.full((LANES,), ql, jnp.int32)
                for ox in (0, 1):
                    px = a0 if ox == 0 else a1
                    mx = valid & (inx0 if ox == 0 else inx1)
                    for oy in (0, 1):
                        pxy = px * (wy0 if oy == 0 else fy)
                        mxy = mx & (iny0 if oy == 0 else iny1)
                        for oz in (0, 1):
                            w = pxy * (wz0 if oz == 0 else fz)
                            mall = mxy & (inz0 if oz == 0 else inz1)
                            flat = fbase + (ox * GRID_NUM * GRID_NUM
                                            + oy * GRID_NUM + oz)
                            flat = jnp.clip(flat, 0, NCELL - 1)
                            plsc.addupdate_scatter(acc_v, [qlvec, flat], w,
                                                   mask=mall)
            plsc.parallel_loop(0, ngroups, 1, unroll=2)(splat_body)
            return carry2
        lax.fori_loop(0, qb, q_body, 0)

        pltpu.sync_copy(acc_v, out_hbm.at[pl.ds(q0, qb)])
        return carry
    lax.fori_loop(0, nblk, blk_body, 0)


def _sc_call(prob2d, u1, v0x, v0y, v0z):
    nq, l1 = prob2d.shape
    qpw = nq // NW
    qb = 16
    mesh = plsc.VectorSubcoreMesh(core_axis_name="c", subcore_axis_name="s",
                                  num_cores=NUM_CORES,
                                  num_subcores=NUM_SUBCORES)
    body = functools.partial(_sc_splat_body, nq, l1, qpw, qb)
    return pl.kernel(
        body,
        out_type=jax.ShapeDtypeStruct((nq, NCELL), jnp.float32),
        mesh=mesh,
        compiler_params=pltpu.CompilerParams(needs_layout_passes=False),
        scratch_types=[
            pltpu.VMEM((qb, l1), jnp.float32),
            pltpu.VMEM((3, l1), jnp.float32),
            pltpu.VMEM((qpw,), jnp.float32),
            pltpu.VMEM((qpw,), jnp.float32),
            pltpu.VMEM((qpw,), jnp.float32),
            pltpu.VMEM((l1 + 32,), jnp.int32),
            pltpu.VMEM((qb, NCELL), jnp.float32),
        ],
    )(prob2d, u1, v0x, v0y, v0z)


def kernel(x0, x1, pos0, pos1, pad_mask):
    B, L0, C = x0.shape
    L1 = x1.shape[1]
    padf = pad_mask.astype(jnp.float32).reshape(B, 1, L1)
    pos1t = jnp.transpose(pos1, (0, 2, 1))
    prob, flow = _tc_call(x0, x1, pos0, pos1, pos1t, padf, bm=512)
    u1 = jnp.transpose(pos1 * jnp.float32(1.0 / VOXEL), (0, 2, 1))
    v0 = jnp.transpose(((pos0 - jnp.float32(OFFSET)) * jnp.float32(1.0 / VOXEL)
                        ).reshape(B * L0, 3), (1, 0))
    prob2d = prob.reshape(B * L0, L1)
    flow_dist = _sc_call(prob2d, u1, v0[0], v0[1], v0[2]).reshape(B, L0, NCELL)
    return flow, flow_dist

# --- scband reference (transcript-rebuilt; emitter-appended) ---
"""Pipeline reference for scband-fine-matching-29798483099799 (READ-ONLY COPY).

The authoritative reference and input builder live on the scoring server;
editing this copy changes nothing except your own understanding.
"""

import jax, jax.numpy as jnp
import numpy as np

GRID_NUM = 8
VOXEL = 0.04
NDIM = 3
MAXN = 128
OFFSET = GRID_NUM * VOXEL / 2.0
RADIUS = (GRID_NUM + 1) * VOXEL / 2.0


def setup_inputs(seed: int = 0) -> dict:
    key = jax.random.key(seed)
    k1, k2, k3, k4 = jax.random.split(key, 4)
    B, L0, L1, C = 4, 1024, 1024, 256
    x0 = jax.random.normal(k1, (B, L0, C), jnp.float32)
    x1 = jax.random.normal(k2, (B, L1, C), jnp.float32)
    pos0 = jax.random.uniform(k3, (B, L0, 3), dtype=jnp.float32)
    pos1 = jax.random.uniform(k4, (B, L1, 3), dtype=jnp.float32)
    pad_mask = jnp.zeros((B, L1), dtype=bool)
    return {"x0": x0, "x1": x1, "pos0": pos0, "pos1": pos1, "pad_mask": pad_mask}


def _forward(x0, x1, pos0, pos1, pad_mask):
    B, L0, C = x0.shape
    L1 = x1.shape[1]
    K = MAXN
    # batched radius search: nearest max_neighbors within RADIUS (per batch element)
    d0 = jnp.sum(pos0 ** 2, -1)
    d1 = jnp.sum(pos1 ** 2, -1)
    dist2 = d0[:, :, None] + d1[:, None, :] - 2.0 * jnp.einsum('bid,bjd->bij', pos0, pos1)
    dist2 = jnp.maximum(dist2, 0.0)
    within = dist2 <= RADIUS ** 2
    neg = jnp.where(within, -dist2, -jnp.inf)
    vals, idx = jax.lax.top_k(neg, K)  # (B, L0, K)
    valid = vals > -jnp.inf
    # gather neighbor features and positions
    x1g = jnp.take_along_axis(x1, idx.reshape(B, L0 * K, 1), axis=1).reshape(B, L0, K, C)
    corr = jnp.einsum('blc,blkc->blk', x0, x1g) / jnp.sqrt(jnp.asarray(C, jnp.float32))
    padg = jnp.take_along_axis(pad_mask, idx.reshape(B, L0 * K), axis=1).reshape(B, L0, K)
    mask = valid & (~padg)
    # segment softmax over neighbors of each query (nan -> 0 handling)
    corr_s = jnp.where(mask, corr, 0.0)
    m = jnp.max(jnp.where(mask, corr_s, -jnp.inf), axis=-1, keepdims=True)
    m = jax.lax.stop_gradient(jnp.where(jnp.isfinite(m), m, 0.0))
    e = jnp.where(mask, jnp.exp(corr_s - m), 0.0)
    s = jnp.sum(e, -1, keepdims=True)
    prob = jnp.where(s > 0, e / jnp.where(s > 0, s, 1.0), 0.0)
    pos1g = jnp.take_along_axis(pos1, idx.reshape(B, L0 * K, 1), axis=1).reshape(B, L0, K, 3)
    dpos = pos1g - pos0[:, :, None, :]
    dpos = jnp.where(mask[..., None], dpos, 0.0)
    flow = jnp.sum(prob[..., None] * dpos, axis=2)  # (B, L0, 3)
    # P2G: trilinear splat of prob onto grid_num^3 grid of relative displacements
    g = (dpos + OFFSET) / VOXEL
    base = jnp.floor(g)
    frac = g - base
    basei = base.astype(jnp.int32)
    Ncell = GRID_NUM ** NDIM
    prob_f = prob.reshape(B * L0, K)
    mask_f = mask.reshape(B * L0, K)
    basei_f = basei.reshape(B * L0, K, 3)
    frac_f = frac.reshape(B * L0, K, 3)
    dist0 = jnp.zeros((B * L0, Ncell), jnp.float32)

    def splat(dist, pr, msk, bi, fr):
        for c in range(8):
            off = jnp.array([(c >> 2) & 1, (c >> 1) & 1, c & 1], jnp.int32)
            coord = bi + off
            inb = jnp.all((coord >= 0) & (coord < GRID_NUM), axis=-1) & msk
            w = jnp.prod(jnp.where(off == 1, fr, 1.0 - fr), axis=-1)
            flat = coord[..., 0] * GRID_NUM * GRID_NUM + coord[..., 1] * GRID_NUM + coord[..., 2]
            flat = jnp.where(inb, flat, 0)
            v = jnp.where(inb, pr * w, 0.0)
            dist = dist.at[flat].add(v)
        return dist

    flow_dist = jax.vmap(splat)(dist0, prob_f, mask_f, basei_f, frac_f)
    flow_dist = flow_dist.reshape(B, L0, Ncell)
    return flow, flow_dist


def reference(x0, x1, pos0, pos1, pad_mask):
    return _forward(x0, x1, pos0, pos1, pad_mask)

if __name__ == "__main__":
    import jax
    _d = setup_inputs()
    print(jax.jit(kernel)(*tuple(_d.values())))

</pallas_src>

<mosaic_0001>
#map = affine_map<(d0, d1) -> (0, 0)>
#map1 = affine_map<(d0, d1) -> (0, 0, 0)>
#map2 = affine_map<(d0, d1) -> (0)>
module attributes {stable_mosaic.version = 14 : i64} {
  func.func @_sc_splat_body(%arg0: i32, %arg1: i32, %arg2: memref<4096x1024xf32, #tpu.memory_space<hbm>>, %arg3: memref<4x3x1024xf32, #tpu.memory_space<hbm>>, %arg4: memref<4096xf32, #tpu.memory_space<hbm>>, %arg5: memref<4096xf32, #tpu.memory_space<hbm>>, %arg6: memref<4096xf32, #tpu.memory_space<hbm>>, %arg7: memref<4096x512xf32, #tpu.memory_space<hbm>>, %arg8: memref<16x1024xf32, #tpu.memory_space<vmem>>, %arg9: memref<3x1024xf32, #tpu.memory_space<vmem>>, %arg10: memref<128xf32, #tpu.memory_space<vmem>>, %arg11: memref<128xf32, #tpu.memory_space<vmem>>, %arg12: memref<128xf32, #tpu.memory_space<vmem>>, %arg13: memref<1056xi32, #tpu.memory_space<vmem>>, %arg14: memref<16x512xf32, #tpu.memory_space<vmem>>) attributes {dimension_semantics = [#tpu.dimension_semantics<core_parallel>, #tpu.dimension_semantics<subcore_parallel>], iteration_bounds = array<i64: 2, 16>, scalar_prefetch = 0 : i64, scratch_operands = 7 : i64, tpu.core_type = #tpu.core_type<sc_vector_subcore>, window_params = [{transform_indices = #map}, {transform_indices = #map1}, {transform_indices = #map2}, {transform_indices = #map2}, {transform_indices = #map2}, {transform_indices = #map}]} {
    %mul3A = arith.constant 2 : i32
    %mul3A_0 = arith.muli %arg1, %mul3A : i32
    %add3A = arith.addi %mul3A_0, %arg0 : i32
    %mul3A_1 = arith.constant 128 : i32
    %mul3A_2 = arith.muli %add3A, %mul3A_1 : i32
    %jit3A = arith.constant 1024 : i32
    %div3A = arith.divsi %mul3A_2, %jit3A : i32
    %sign3A = arith.constant 0 : i32
    %sign3A_3 = arith.cmpi sgt, %mul3A_2, %sign3A : i32
    %sign3A_4 = arith.extui %sign3A_3 : i1 to i32
    %sign3A_5 = arith.constant 0 : i32
    %sign3A_6 = arith.cmpi slt, %mul3A_2, %sign3A_5 : i32
    %sign3A_7 = arith.extui %sign3A_6 : i1 to i32
    %sign3A_8 = arith.subi %sign3A_4, %sign3A_7 : i32
    %sign3A_9 = arith.constant 0 : i32
    %sign3A_10 = arith.cmpi sgt, %jit3A, %sign3A_9 : i32
    %sign3A_11 = arith.extui %sign3A_10 : i1 to i32
    %sign3A_12 = arith.constant 0 : i32
    %sign3A_13 = arith.cmpi slt, %jit3A, %sign3A_12 : i32
    %sign3A_14 = arith.extui %sign3A_13 : i1 to i32
    %sign3A_15 = arith.subi %sign3A_11, %sign3A_14 : i32
    %ne3A = arith.cmpi ne, %sign3A_8, %sign3A_15 : i32
    %rem3A = arith.remsi %mul3A_2, %jit3A : i32
    %ne3A_16 = arith.constant 0 : i32
    %ne3A_17 = arith.cmpi ne, %rem3A, %ne3A_16 : i32
    %and3A = arith.andi %ne3A, %ne3A_17 : i1
    %sub3A = arith.constant 1 : i32
    %sub3A_18 = arith.subi %div3A, %sub3A : i32
    %select_n3A = arith.select %and3A, %sub3A_18, %div3A : i32
    %iota3A = tpu.iota {dimensions = array<i32: 0>} : vector<16xi32>
    %broadcast_in_dim3A = arith.constant 0.000000e+00 : f32
    %broadcast_in_dim3A_19 = vector.broadcast %broadcast_in_dim3A : f32 to vector<16xf32>
    "tpu.region"() ({
      %run_scoped3A = tpu.sem_alloc : memref<!tpu.dma_semaphore, #tpu.memory_space<semaphore_mem>>
      %dma_start3A = arith.constant 0 : i32
      %dma_start3A_31 = arith.constant 0 : i32
      %dma_start3A_32 = tpu.memref_slice %arg3[%select_n3A, %dma_start3A, %dma_start3A_31] : memref<4x3x1024xf32, #tpu.memory_space<hbm>> -> memref<1x3x1024xf32, #tpu.memory_space<hbm>>
      %dma_start3A_33 = tpu.memref_squeeze %dma_start3A_32 : memref<1x3x1024xf32, #tpu.memory_space<hbm>> -> memref<3x1024xf32, #tpu.memory_space<hbm>>
      %dma_start3A_34 = arith.constant 0 : i32
      %dma_start3A_35 = arith.constant 0 : i32
      %dma_start3A_36 = tpu.memref_slice %arg3[%select_n3A, %dma_start3A_34, %dma_start3A_35] : memref<4x3x1024xf32, #tpu.memory_space<hbm>> -> memref<1x3x1024xf32, #tpu.memory_space<hbm>>
      %dma_start3A_37 = tpu.memref_squeeze %dma_start3A_36 : memref<1x3x1024xf32, #tpu.memory_space<hbm>> -> memref<3x1024xf32, #tpu.memory_space<hbm>>
      tpu.enqueue_dma source(%dma_start3A_37 : memref<3x1024xf32, #tpu.memory_space<hbm>>) target(%arg9 : memref<3x1024xf32, #tpu.memory_space<vmem>>) target_semaphore(%run_scoped3A : memref<!tpu.dma_semaphore, #tpu.memory_space<semaphore_mem>>)
      %dma_wait3A = arith.constant 0 : i32
      %dma_wait3A_38 = arith.constant 0 : i32
      %dma_wait3A_39 = tpu.memref_slice %arg3[%select_n3A, %dma_wait3A, %dma_wait3A_38] : memref<4x3x1024xf32, #tpu.memory_space<hbm>> -> memref<1x3x1024xf32, #tpu.memory_space<hbm>>
      %dma_wait3A_40 = tpu.memref_squeeze %dma_wait3A_39 : memref<1x3x1024xf32, #tpu.memory_space<hbm>> -> memref<3x1024xf32, #tpu.memory_space<hbm>>
      %dma_wait3A_41 = arith.constant 0 : i32
      %dma_wait3A_42 = arith.constant 0 : i32
      %dma_wait3A_43 = tpu.memref_slice %arg3[%select_n3A, %dma_wait3A_41, %dma_wait3A_42] : memref<4x3x1024xf32, #tpu.memory_space<hbm>> -> memref<1x3x1024xf32, #tpu.memory_space<hbm>>
      %dma_wait3A_44 = tpu.memref_squeeze %dma_wait3A_43 : memref<1x3x1024xf32, #tpu.memory_space<hbm>> -> memref<3x1024xf32, #tpu.memory_space<hbm>>
      tpu.wait_dma2 semaphore(%run_scoped3A : memref<!tpu.dma_semaphore, #tpu.memory_space<semaphore_mem>>) src(%dma_wait3A_44 : memref<3x1024xf32, #tpu.memory_space<hbm>>) dst(%arg9 : memref<3x1024xf32, #tpu.memory_space<vmem>>)
      tpu.yield
    }) : () -> ()
    "tpu.region"() ({
      %run_scoped3A = tpu.sem_alloc : memref<!tpu.dma_semaphore, #tpu.memory_space<semaphore_mem>>
      %dma_start3A = tpu.memref_slice %arg4[%mul3A_2] : memref<4096xf32, #tpu.memory_space<hbm>> -> memref<128xf32, #tpu.memory_space<hbm>>
      %dma_start3A_31 = tpu.memref_slice %arg4[%mul3A_2] : memref<4096xf32, #tpu.memory_space<hbm>> -> memref<128xf32, #tpu.memory_space<hbm>>
      tpu.enqueue_dma source(%dma_start3A_31 : memref<128xf32, #tpu.memory_space<hbm>>) target(%arg10 : memref<128xf32, #tpu.memory_space<vmem>>) target_semaphore(%run_scoped3A : memref<!tpu.dma_semaphore, #tpu.memory_space<semaphore_mem>>)
      %dma_wait3A = tpu.memref_slice %arg4[%mul3A_2] : memref<4096xf32, #tpu.memory_space<hbm>> -> memref<128xf32, #tpu.memory_space<hbm>>
      %dma_wait3A_32 = tpu.memref_slice %arg4[%mul3A_2] : memref<4096xf32, #tpu.memory_space<hbm>> -> memref<128xf32, #tpu.memory_space<hbm>>
      tpu.wait_dma2 semaphore(%run_scoped3A : memref<!tpu.dma_semaphore, #tpu.memory_space<semaphore_mem>>) src(%dma_wait3A_32 : memref<128xf32, #tpu.memory_space<hbm>>) dst(%arg10 : memref<128xf32, #tpu.memory_space<vmem>>)
      tpu.yield
    }) : () -> ()
    "tpu.region"() ({
      %run_scoped3A = tpu.sem_alloc : memref<!tpu.dma_semaphore, #tpu.memory_space<semaphore_mem>>
      %dma_start3A = tpu.memref_slice %arg5[%mul3A_2] : memref<4096xf32, #tpu.memory_space<hbm>> -> memref<128xf32, #tpu.memory_space<hbm>>
      %dma_start3A_31 = tpu.memref_slice %arg5[%mul3A_2] : memref<4096xf32, #tpu.memory_space<hbm>> -> memref<128xf32, #tpu.memory_space<hbm>>
      tpu.enqueue_dma source(%dma_start3A_31 : memref<128xf32, #tpu.memory_space<hbm>>) target(%arg11 : memref<128xf32, #tpu.memory_space<vmem>>) target_semaphore(%run_scoped3A : memref<!tpu.dma_semaphore, #tpu.memory_space<semaphore_mem>>)
      %dma_wait3A = tpu.memref_slice %arg5[%mul3A_2] : memref<4096xf32, #tpu.memory_space<hbm>> -> memref<128xf32, #tpu.memory_space<hbm>>
      %dma_wait3A_32 = tpu.memref_slice %arg5[%mul3A_2] : memref<4096xf32, #tpu.memory_space<hbm>> -> memref<128xf32, #tpu.memory_space<hbm>>
      tpu.wait_dma2 semaphore(%run_scoped3A : memref<!tpu.dma_semaphore, #tpu.memory_space<semaphore_mem>>) src(%dma_wait3A_32 : memref<128xf32, #tpu.memory_space<hbm>>) dst(%arg11 : memref<128xf32, #tpu.memory_space<vmem>>)
      tpu.yield
    }) : () -> ()
    "tpu.region"() ({
      %run_scoped3A = tpu.sem_alloc : memref<!tpu.dma_semaphore, #tpu.memory_space<semaphore_mem>>
      %dma_start3A = tpu.memref_slice %arg6[%mul3A_2] : memref<4096xf32, #tpu.memory_space<hbm>> -> memref<128xf32, #tpu.memory_space<hbm>>
      %dma_start3A_31 = tpu.memref_slice %arg6[%mul3A_2] : memref<4096xf32, #tpu.memory_space<hbm>> -> memref<128xf32, #tpu.memory_space<hbm>>
      tpu.enqueue_dma source(%dma_start3A_31 : memref<128xf32, #tpu.memory_space<hbm>>) target(%arg12 : memref<128xf32, #tpu.memory_space<vmem>>) target_semaphore(%run_scoped3A : memref<!tpu.dma_semaphore, #tpu.memory_space<semaphore_mem>>)
      %dma_wait3A = tpu.memref_slice %arg6[%mul3A_2] : memref<4096xf32, #tpu.memory_space<hbm>> -> memref<128xf32, #tpu.memory_space<hbm>>
      %dma_wait3A_32 = tpu.memref_slice %arg6[%mul3A_2] : memref<4096xf32, #tpu.memory_space<hbm>> -> memref<128xf32, #tpu.memory_space<hbm>>
      tpu.wait_dma2 semaphore(%run_scoped3A : memref<!tpu.dma_semaphore, #tpu.memory_space<semaphore_mem>>) src(%dma_wait3A_32 : memref<128xf32, #tpu.memory_space<hbm>>) dst(%arg12 : memref<128xf32, #tpu.memory_space<vmem>>)
      tpu.yield
    }) : () -> ()
    %broadcast_in_dim3A_20 = arith.constant 0 : i32
    %broadcast_in_dim3A_21 = vector.broadcast %broadcast_in_dim3A_20 : i32 to vector<16xi32>
    %broadcast_in_dim3A_22 = arith.constant 1 : i32
    %broadcast_in_dim3A_23 = vector.broadcast %broadcast_in_dim3A_22 : i32 to vector<16xi32>
    %broadcast_in_dim3A_24 = arith.constant 2 : i32
    %broadcast_in_dim3A_25 = vector.broadcast %broadcast_in_dim3A_24 : i32 to vector<16xi32>
    %scan3A = arith.constant 0 : i32
    %scan3A_26 = arith.constant 0 : i32
    %scan3A_27 = arith.constant 8 : i32
    %scan3A_28 = arith.addi %scan3A_26, %scan3A_27 : i32
    %scan3A_29 = arith.constant 1 : i32
    scf.for %scan3A_31 = %scan3A_26 to %scan3A_28 step %scan3A_29  : i32 {
      %mul3A_32 = arith.constant 16 : i32
      %mul3A_33 = arith.muli %scan3A_31, %mul3A_32 : i32
      %add3A_34 = arith.addi %mul3A_2, %mul3A_33 : i32
      "tpu.region"() ({
        %run_scoped3A = tpu.sem_alloc : memref<!tpu.dma_semaphore, #tpu.memory_space<semaphore_mem>>
        %dma_start3A = arith.constant 0 : i32
        %dma_start3A_43 = tpu.memref_slice %arg2[%add3A_34, %dma_start3A] : memref<4096x1024xf32, #tpu.memory_space<hbm>> -> memref<16x1024xf32, #tpu.memory_space<hbm>>
        %dma_start3A_44 = arith.constant 0 : i32
        %dma_start3A_45 = tpu.memref_slice %arg2[%add3A_34, %dma_start3A_44] : memref<4096x1024xf32, #tpu.memory_space<hbm>> -> memref<16x1024xf32, #tpu.memory_space<hbm>>
        tpu.enqueue_dma source(%dma_start3A_45 : memref<16x1024xf32, #tpu.memory_space<hbm>>) target(%arg8 : memref<16x1024xf32, #tpu.memory_space<vmem>>) target_semaphore(%run_scoped3A : memref<!tpu.dma_semaphore, #tpu.memory_space<semaphore_mem>>)
        %dma_wait3A = arith.constant 0 : i32
        %dma_wait3A_46 = tpu.memref_slice %arg2[%add3A_34, %dma_wait3A] : memref<4096x1024xf32, #tpu.memory_space<hbm>> -> memref<16x1024xf32, #tpu.memory_space<hbm>>
        %dma_wait3A_47 = arith.constant 0 : i32
        %dma_wait3A_48 = tpu.memref_slice %arg2[%add3A_34, %dma_wait3A_47] : memref<4096x1024xf32, #tpu.memory_space<hbm>> -> memref<16x1024xf32, #tpu.memory_space<hbm>>
        tpu.wait_dma2 semaphore(%run_scoped3A : memref<!tpu.dma_semaphore, #tpu.memory_space<semaphore_mem>>) src(%dma_wait3A_48 : memref<16x1024xf32, #tpu.memory_space<hbm>>) dst(%arg8 : memref<16x1024xf32, #tpu.memory_space<vmem>>)
        tpu.yield
      }) : () -> ()
      %parallel_loop3A = arith.constant 0 : i32
      %parallel_loop3A_35 = arith.constant 512 : i32
      %parallel_loop3A_36 = arith.constant 1 : i32
      scf.for %parallel_loop3A_43 = %parallel_loop3A to %parallel_loop3A_35 step %parallel_loop3A_36  : i32 {
        %parallel_loop3A_44 = arith.constant 32 : i32
        %parallel_loop3A_45 = arith.divsi %parallel_loop3A_43, %parallel_loop3A_44 : i32
        %parallel_loop3A_46 = arith.constant 0 : i32
        %parallel_loop3A_47 = arith.cmpi sgt, %parallel_loop3A_43, %parallel_loop3A_46 : i32
        %parallel_loop3A_48 = arith.extui %parallel_loop3A_47 : i1 to i32
        %parallel_loop3A_49 = arith.constant 0 : i32
        %parallel_loop3A_50 = arith.cmpi slt, %parallel_loop3A_43, %parallel_loop3A_49 : i32
        %parallel_loop3A_51 = arith.extui %parallel_loop3A_50 : i1 to i32
        %parallel_loop3A_52 = arith.subi %parallel_loop3A_48, %parallel_loop3A_51 : i32
        %parallel_loop3A_53 = arith.constant 0 : i32
        %parallel_loop3A_54 = arith.cmpi sgt, %parallel_loop3A_44, %parallel_loop3A_53 : i32
        %parallel_loop3A_55 = arith.extui %parallel_loop3A_54 : i1 to i32
        %parallel_loop3A_56 = arith.constant 0 : i32
        %parallel_loop3A_57 = arith.cmpi slt, %parallel_loop3A_44, %parallel_loop3A_56 : i32
        %parallel_loop3A_58 = arith.extui %parallel_loop3A_57 : i1 to i32
        %parallel_loop3A_59 = arith.subi %parallel_loop3A_55, %parallel_loop3A_58 : i32
        %parallel_loop3A_60 = arith.cmpi ne, %parallel_loop3A_52, %parallel_loop3A_59 : i32
        %parallel_loop3A_61 = arith.remsi %parallel_loop3A_43, %parallel_loop3A_44 : i32
        %parallel_loop3A_62 = arith.constant 0 : i32
        %parallel_loop3A_63 = arith.cmpi ne, %parallel_loop3A_61, %parallel_loop3A_62 : i32
        %parallel_loop3A_64 = arith.andi %parallel_loop3A_60, %parallel_loop3A_63 : i1
        %parallel_loop3A_65 = arith.constant 1 : i32
        %parallel_loop3A_66 = arith.subi %parallel_loop3A_45, %parallel_loop3A_65 : i32
        %parallel_loop3A_67 = arith.select %parallel_loop3A_64, %parallel_loop3A_66, %parallel_loop3A_45 : i32
        %parallel_loop3A_68 = arith.constant 32 : i32
        %parallel_loop3A_69 = arith.constant 0 : i32
        %parallel_loop3A_70 = arith.cmpi eq, %parallel_loop3A_68, %parallel_loop3A_69 : i32
        %parallel_loop3A_71 = arith.constant 1 : i32
        %parallel_loop3A_72 = arith.select %parallel_loop3A_70, %parallel_loop3A_71, %parallel_loop3A_68 : i32
        %parallel_loop3A_73 = arith.remsi %parallel_loop3A_43, %parallel_loop3A_72 : i32
        %parallel_loop3A_74 = arith.constant 0 : i32
        %parallel_loop3A_75 = arith.cmpi ne, %parallel_loop3A_73, %parallel_loop3A_74 : i32
        %parallel_loop3A_76 = arith.constant 0 : i32
        %parallel_loop3A_77 = arith.cmpi slt, %parallel_loop3A_73, %parallel_loop3A_76 : i32
        %parallel_loop3A_78 = arith.constant 0 : i32
        %parallel_loop3A_79 = arith.cmpi slt, %parallel_loop3A_72, %parallel_loop3A_78 : i32
        %parallel_loop3A_80 = arith.xori %parallel_loop3A_77, %parallel_loop3A_79 : i1
        %parallel_loop3A_81 = arith.andi %parallel_loop3A_80, %parallel_loop3A_75 : i1
        %parallel_loop3A_82 = arith.addi %parallel_loop3A_73, %parallel_loop3A_72 : i32
        %parallel_loop3A_83 = arith.select %parallel_loop3A_81, %parallel_loop3A_82, %parallel_loop3A_73 : i32
        %parallel_loop3A_84 = arith.constant 16 : i32
        %parallel_loop3A_85 = arith.muli %parallel_loop3A_83, %parallel_loop3A_84 : i32
        %parallel_loop3A_86 = arith.index_cast %parallel_loop3A_67 : i32 to index
        %parallel_loop3A_87 = arith.index_cast %parallel_loop3A_85 : i32 to index
        %parallel_loop3A_88 = tpu.vector_load %arg14[%parallel_loop3A_86, %parallel_loop3A_87] {strides = array<i32>} : memref<16x512xf32, #tpu.memory_space<vmem>>, vector<16xf32>,
        tpu.vector_store %arg14[%parallel_loop3A_86, %parallel_loop3A_87], %broadcast_in_dim3A_19 {strides = array<i32>} : memref<16x512xf32, #tpu.memory_space<vmem>>, vector<16xf32>,
      } {sc.loop_unroll_factor = 4 : i64, sc.parallel_access}
      %scan3A_37 = arith.constant 0 : i32
      %scan3A_38 = arith.constant 0 : i32
      %scan3A_39 = arith.constant 16 : i32
      %scan3A_40 = arith.addi %scan3A_38, %scan3A_39 : i32
      %scan3A_41 = arith.constant 1 : i32
      scf.for %scan3A_43 = %scan3A_38 to %scan3A_40 step %scan3A_41  : i32 {
        %mul3A_44 = arith.constant 16 : i32
        %mul3A_45 = arith.muli %scan3A_31, %mul3A_44 : i32
        %add3A_46 = arith.addi %mul3A_45, %scan3A_43 : i32
        %parallel_loop3A_47 = arith.constant 0 : i32
        %parallel_loop3A_48 = arith.constant 64 : i32
        %parallel_loop3A_49 = arith.constant 1 : i32
        %parallel_loop3A_50 = arith.constant 0 : i32
        %parallel_loop3A_51 = scf.for %parallel_loop3A_83 = %parallel_loop3A_47 to %parallel_loop3A_48 step %parallel_loop3A_49 iter_args(%parallel_loop3A_84 = %parallel_loop3A_50) -> (i32)  : i32 {
          %parallel_loop3A_85 = arith.constant 16 : i32
          %parallel_loop3A_86 = arith.muli %parallel_loop3A_83, %parallel_loop3A_85 : i32
          %parallel_loop3A_87 = arith.index_cast %scan3A_43 : i32 to index
          %parallel_loop3A_88 = arith.index_cast %parallel_loop3A_86 : i32 to index
          %parallel_loop3A_89 = tpu.vector_load %arg8[%parallel_loop3A_87, %parallel_loop3A_88] {strides = array<i32>} : memref<16x1024xf32, #tpu.memory_space<vmem>>, vector<16xf32>,
          %parallel_loop3A_90 = arith.constant 0.000000e+00 : f32
          %parallel_loop3A_91 = vector.broadcast %parallel_loop3A_90 : f32 to vector<16xf32>
          %parallel_loop3A_92 = arith.cmpf ogt, %parallel_loop3A_89, %parallel_loop3A_91 : vector<16xf32>
          %parallel_loop3A_93 = arith.extui %parallel_loop3A_92 : vector<16xi1> to vector<16xi32>
          %parallel_loop3A_94 = arith.constant true
          %parallel_loop3A_95 = vector.broadcast %parallel_loop3A_94 : i1 to vector<16xi1>
          %parallel_loop3A_96 = tpu.scan <sum>, %parallel_loop3A_93 masked %parallel_loop3A_95 : vector<16xi32>, vector<16xi1> -> vector<16xi32>
          %parallel_loop3A_97 = vector.broadcast %parallel_loop3A_84 : i32 to vector<16xi32>
          %parallel_loop3A_98 = arith.addi %parallel_loop3A_97, %parallel_loop3A_96 : vector<16xi32>
          %parallel_loop3A_99 = arith.constant 1 : i32
          %parallel_loop3A_100 = vector.broadcast %parallel_loop3A_99 : i32 to vector<16xi32>
          %parallel_loop3A_101 = arith.subi %parallel_loop3A_98, %parallel_loop3A_100 : vector<16xi32>
          %parallel_loop3A_102 = vector.bitcast %parallel_loop3A_89 : vector<16xf32> to vector<16xi32>
          %parallel_loop3A_103 = arith.constant -1024 : i32
          %parallel_loop3A_104 = vector.broadcast %parallel_loop3A_103 : i32 to vector<16xi32>
          %parallel_loop3A_105 = arith.andi %parallel_loop3A_102, %parallel_loop3A_104 : vector<16xi32>
          %parallel_loop3A_106 = arith.constant 16 : i32
          %parallel_loop3A_107 = arith.muli %parallel_loop3A_83, %parallel_loop3A_106 : i32
          %parallel_loop3A_108 = vector.broadcast %parallel_loop3A_107 : i32 to vector<16xi32>
          %parallel_loop3A_109 = arith.addi %parallel_loop3A_108, %iota3A : vector<16xi32>
          %parallel_loop3A_110 = arith.ori %parallel_loop3A_105, %parallel_loop3A_109 : vector<16xi32>
          tpu.vector_store_idx %arg13[%parallel_loop3A_101], %parallel_loop3A_110 masked %parallel_loop3A_92 : memref<1056xi32, #tpu.memory_space<vmem>>[vector<16xi32>], vector<16xi32>, vector<16xi1>
          %parallel_loop3A_111 = vector.extract_strided_slice %parallel_loop3A_96 {offsets = [15], sizes = [1], strides = [1]} : vector<16xi32> to vector<1xi32>
          %parallel_loop3A_112 = vector.extract %parallel_loop3A_111[0] : i32 from vector<1xi32>
          %parallel_loop3A_113 = arith.addi %parallel_loop3A_84, %parallel_loop3A_112 : i32
          scf.yield %parallel_loop3A_113 : i32
        } {sc.loop_unroll_factor = 4 : i64, sc.parallel_access}
        %broadcast_in_dim3A_52 = vector.broadcast %add3A_46 : i32 to vector<16xi32>
        %gather3A = tpu.vector_load_idx %arg10[%broadcast_in_dim3A_52] : memref<128xf32, #tpu.memory_space<vmem>>[vector<16xi32>], vector<16xf32>,
        %gather3A_53 = tpu.vector_load_idx %arg11[%broadcast_in_dim3A_52] : memref<128xf32, #tpu.memory_space<vmem>>[vector<16xi32>], vector<16xf32>,
        %gather3A_54 = tpu.vector_load_idx %arg12[%broadcast_in_dim3A_52] : memref<128xf32, #tpu.memory_space<vmem>>[vector<16xi32>], vector<16xf32>,
        %add3A_55 = arith.constant 15 : i32
        %add3A_56 = arith.addi %parallel_loop3A_51, %add3A_55 : i32
        %jit3A_57 = arith.constant 16 : i32
        %div3A_58 = arith.divsi %add3A_56, %jit3A_57 : i32
        %sign3A_59 = arith.constant 0 : i32
        %sign3A_60 = arith.cmpi sgt, %add3A_56, %sign3A_59 : i32
        %sign3A_61 = arith.extui %sign3A_60 : i1 to i32
        %sign3A_62 = arith.constant 0 : i32
        %sign3A_63 = arith.cmpi slt, %add3A_56, %sign3A_62 : i32
        %sign3A_64 = arith.extui %sign3A_63 : i1 to i32
        %sign3A_65 = arith.subi %sign3A_61, %sign3A_64 : i32
        %sign3A_66 = arith.constant 0 : i32
        %sign3A_67 = arith.cmpi sgt, %jit3A_57, %sign3A_66 : i32
        %sign3A_68 = arith.extui %sign3A_67 : i1 to i32
        %sign3A_69 = arith.constant 0 : i32
        %sign3A_70 = arith.cmpi slt, %jit3A_57, %sign3A_69 : i32
        %sign3A_71 = arith.extui %sign3A_70 : i1 to i32
        %sign3A_72 = arith.subi %sign3A_68, %sign3A_71 : i32
        %ne3A_73 = arith.cmpi ne, %sign3A_65, %sign3A_72 : i32
        %rem3A_74 = arith.remsi %add3A_56, %jit3A_57 : i32
        %ne3A_75 = arith.constant 0 : i32
        %ne3A_76 = arith.cmpi ne, %rem3A_74, %ne3A_75 : i32
        %and3A_77 = arith.andi %ne3A_73, %ne3A_76 : i1
        %sub3A_78 = arith.constant 1 : i32
        %sub3A_79 = arith.subi %div3A_58, %sub3A_78 : i32
        %select_n3A_80 = arith.select %and3A_77, %sub3A_79, %div3A_58 : i32
        %parallel_loop3A_81 = arith.constant 0 : i32
        %parallel_loop3A_82 = arith.constant 1 : i32
        scf.for %parallel_loop3A_83 = %parallel_loop3A_81 to %select_n3A_80 step %parallel_loop3A_82  : i32 {
          %parallel_loop3A_84 = arith.constant 16 : i32
          %parallel_loop3A_85 = arith.muli %parallel_loop3A_83, %parallel_loop3A_84 : i32
          %parallel_loop3A_86 = vector.broadcast %parallel_loop3A_85 : i32 to vector<16xi32>
          %parallel_loop3A_87 = arith.addi %parallel_loop3A_86, %iota3A : vector<16xi32>
          %parallel_loop3A_88 = vector.broadcast %parallel_loop3A_51 : i32 to vector<16xi32>
          %parallel_loop3A_89 = arith.cmpi slt, %parallel_loop3A_87, %parallel_loop3A_88 : vector<16xi32>
          %parallel_loop3A_90 = arith.index_cast %parallel_loop3A_85 : i32 to index
          %parallel_loop3A_91 = tpu.vector_load %arg13[%parallel_loop3A_90] {strides = array<i32>} : memref<1056xi32, #tpu.memory_space<vmem>>, vector<16xi32>,
          %parallel_loop3A_92 = arith.constant 1023 : i32
          %parallel_loop3A_93 = vector.broadcast %parallel_loop3A_92 : i32 to vector<16xi32>
          %parallel_loop3A_94 = arith.andi %parallel_loop3A_91, %parallel_loop3A_93 : vector<16xi32>
          %parallel_loop3A_95 = arith.constant -1024 : i32
          %parallel_loop3A_96 = vector.broadcast %parallel_loop3A_95 : i32 to vector<16xi32>
          %parallel_loop3A_97 = arith.andi %parallel_loop3A_91, %parallel_loop3A_96 : vector<16xi32>
          %parallel_loop3A_98 = vector.bitcast %parallel_loop3A_97 : vector<16xi32> to vector<16xf32>
          %parallel_loop3A_99 = tpu.vector_load_idx %arg9[%broadcast_in_dim3A_21, %parallel_loop3A_94] masked %parallel_loop3A_89 : memref<3x1024xf32, #tpu.memory_space<vmem>>[vector<16xi32>, vector<16xi32>], vector<16xf32>, vector<16xi1>
          %parallel_loop3A_100 = arith.subf %parallel_loop3A_99, %gather3A : vector<16xf32>
          %parallel_loop3A_101 = tpu.vector_load_idx %arg9[%broadcast_in_dim3A_23, %parallel_loop3A_94] masked %parallel_loop3A_89 : memref<3x1024xf32, #tpu.memory_space<vmem>>[vector<16xi32>, vector<16xi32>], vector<16xf32>, vector<16xi1>
          %parallel_loop3A_102 = arith.subf %parallel_loop3A_101, %gather3A_53 : vector<16xf32>
          %parallel_loop3A_103 = tpu.vector_load_idx %arg9[%broadcast_in_dim3A_25, %parallel_loop3A_94] masked %parallel_loop3A_89 : memref<3x1024xf32, #tpu.memory_space<vmem>>[vector<16xi32>, vector<16xi32>], vector<16xf32>, vector<16xi1>
          %parallel_loop3A_104 = arith.subf %parallel_loop3A_103, %gather3A_54 : vector<16xf32>
          %parallel_loop3A_105 = arith.constant 1.600000e+01 : f32
          %parallel_loop3A_106 = vector.broadcast %parallel_loop3A_105 : f32 to vector<16xf32>
          %parallel_loop3A_107 = arith.addf %parallel_loop3A_100, %parallel_loop3A_106 : vector<16xf32>
          %parallel_loop3A_108 = arith.fptosi %parallel_loop3A_107 : vector<16xf32> to vector<16xi32>
          %parallel_loop3A_109 = arith.constant 16 : i32
          %parallel_loop3A_110 = vector.broadcast %parallel_loop3A_109 : i32 to vector<16xi32>
          %parallel_loop3A_111 = arith.subi %parallel_loop3A_108, %parallel_loop3A_110 : vector<16xi32>
          %parallel_loop3A_112 = arith.constant 1.600000e+01 : f32
          %parallel_loop3A_113 = vector.broadcast %parallel_loop3A_112 : f32 to vector<16xf32>
          %parallel_loop3A_114 = arith.addf %parallel_loop3A_102, %parallel_loop3A_113 : vector<16xf32>
          %parallel_loop3A_115 = arith.fptosi %parallel_loop3A_114 : vector<16xf32> to vector<16xi32>
          %parallel_loop3A_116 = arith.constant 16 : i32
          %parallel_loop3A_117 = vector.broadcast %parallel_loop3A_116 : i32 to vector<16xi32>
          %parallel_loop3A_118 = arith.subi %parallel_loop3A_115, %parallel_loop3A_117 : vector<16xi32>
          %parallel_loop3A_119 = arith.constant 1.600000e+01 : f32
          %parallel_loop3A_120 = vector.broadcast %parallel_loop3A_119 : f32 to vector<16xf32>
          %parallel_loop3A_121 = arith.addf %parallel_loop3A_104, %parallel_loop3A_120 : vector<16xf32>
          %parallel_loop3A_122 = arith.fptosi %parallel_loop3A_121 : vector<16xf32> to vector<16xi32>
          %parallel_loop3A_123 = arith.constant 16 : i32
          %parallel_loop3A_124 = vector.broadcast %parallel_loop3A_123 : i32 to vector<16xi32>
          %parallel_loop3A_125 = arith.subi %parallel_loop3A_122, %parallel_loop3A_124 : vector<16xi32>
          %parallel_loop3A_126 = arith.sitofp %parallel_loop3A_111 : vector<16xi32> to vector<16xf32>
          %parallel_loop3A_127 = arith.subf %parallel_loop3A_100, %parallel_loop3A_126 : vector<16xf32>
          %parallel_loop3A_128 = arith.sitofp %parallel_loop3A_118 : vector<16xi32> to vector<16xf32>
          %parallel_loop3A_129 = arith.subf %parallel_loop3A_102, %parallel_loop3A_128 : vector<16xf32>
          %parallel_loop3A_130 = arith.sitofp %parallel_loop3A_125 : vector<16xi32> to vector<16xf32>
          %parallel_loop3A_131 = arith.subf %parallel_loop3A_104, %parallel_loop3A_130 : vector<16xf32>
          %parallel_loop3A_132 = arith.constant 1.000000e+00 : f32
          %parallel_loop3A_133 = vector.broadcast %parallel_loop3A_132 : f32 to vector<16xf32>
          %parallel_loop3A_134 = arith.subf %parallel_loop3A_133, %parallel_loop3A_129 : vector<16xf32>
          %parallel_loop3A_135 = arith.constant 1.000000e+00 : f32
          %parallel_loop3A_136 = vector.broadcast %parallel_loop3A_135 : f32 to vector<16xf32>
          %parallel_loop3A_137 = arith.subf %parallel_loop3A_136, %parallel_loop3A_131 : vector<16xf32>
          %parallel_loop3A_138 = arith.constant 1.000000e+00 : f32
          %parallel_loop3A_139 = vector.broadcast %parallel_loop3A_138 : f32 to vector<16xf32>
          %parallel_loop3A_140 = arith.subf %parallel_loop3A_139, %parallel_loop3A_127 : vector<16xf32>
          %parallel_loop3A_141 = arith.mulf %parallel_loop3A_98, %parallel_loop3A_140 : vector<16xf32>
          %parallel_loop3A_142 = arith.mulf %parallel_loop3A_98, %parallel_loop3A_127 : vector<16xf32>
          %parallel_loop3A_143 = arith.constant 8 : i32
          %parallel_loop3A_144 = vector.broadcast %parallel_loop3A_143 : i32 to vector<16xi32>
          %parallel_loop3A_145 = arith.muli %parallel_loop3A_111, %parallel_loop3A_144 : vector<16xi32>
          %parallel_loop3A_146 = arith.addi %parallel_loop3A_145, %parallel_loop3A_118 : vector<16xi32>
          %parallel_loop3A_147 = arith.constant 8 : i32
          %parallel_loop3A_148 = vector.broadcast %parallel_loop3A_147 : i32 to vector<16xi32>
          %parallel_loop3A_149 = arith.muli %parallel_loop3A_146, %parallel_loop3A_148 : vector<16xi32>
          %parallel_loop3A_150 = arith.addi %parallel_loop3A_149, %parallel_loop3A_125 : vector<16xi32>
          %parallel_loop3A_151 = arith.constant 0 : i32
          %parallel_loop3A_152 = vector.broadcast %parallel_loop3A_151 : i32 to vector<16xi32>
          %parallel_loop3A_153 = arith.cmpi sge, %parallel_loop3A_111, %parallel_loop3A_152 : vector<16xi32>
          %parallel_loop3A_154 = arith.constant 8 : i32
          %parallel_loop3A_155 = vector.broadcast %parallel_loop3A_154 : i32 to vector<16xi32>
          %parallel_loop3A_156 = arith.cmpi slt, %parallel_loop3A_111, %parallel_loop3A_155 : vector<16xi32>
          %parallel_loop3A_157 = arith.andi %parallel_loop3A_153, %parallel_loop3A_156 : vector<16xi1>
          %parallel_loop3A_158 = arith.constant -1 : i32
          %parallel_loop3A_159 = vector.broadcast %parallel_loop3A_158 : i32 to vector<16xi32>
          %parallel_loop3A_160 = arith.cmpi sge, %parallel_loop3A_111, %parallel_loop3A_159 : vector<16xi32>
          %parallel_loop3A_161 = arith.constant 7 : i32
          %parallel_loop3A_162 = vector.broadcast %parallel_loop3A_161 : i32 to vector<16xi32>
          %parallel_loop3A_163 = arith.cmpi slt, %parallel_loop3A_111, %parallel_loop3A_162 : vector<16xi32>
          %parallel_loop3A_164 = arith.andi %parallel_loop3A_160, %parallel_loop3A_163 : vector<16xi1>
          %parallel_loop3A_165 = arith.constant 0 : i32
          %parallel_loop3A_166 = vector.broadcast %parallel_loop3A_165 : i32 to vector<16xi32>
          %parallel_loop3A_167 = arith.cmpi sge, %parallel_loop3A_118, %parallel_loop3A_166 : vector<16xi32>
          %parallel_loop3A_168 = arith.constant 8 : i32
          %parallel_loop3A_169 = vector.broadcast %parallel_loop3A_168 : i32 to vector<16xi32>
          %parallel_loop3A_170 = arith.cmpi slt, %parallel_loop3A_118, %parallel_loop3A_169 : vector<16xi32>
          %parallel_loop3A_171 = arith.andi %parallel_loop3A_167, %parallel_loop3A_170 : vector<16xi1>
          %parallel_loop3A_172 = arith.constant -1 : i32
          %parallel_loop3A_173 = vector.broadcast %parallel_loop3A_172 : i32 to vector<16xi32>
          %parallel_loop3A_174 = arith.cmpi sge, %parallel_loop3A_118, %parallel_loop3A_173 : vector<16xi32>
          %parallel_loop3A_175 = arith.constant 7 : i32
          %parallel_loop3A_176 = vector.broadcast %parallel_loop3A_175 : i32 to vector<16xi32>
          %parallel_loop3A_177 = arith.cmpi slt, %parallel_loop3A_118, %parallel_loop3A_176 : vector<16xi32>
          %parallel_loop3A_178 = arith.andi %parallel_loop3A_174, %parallel_loop3A_177 : vector<16xi1>
          %parallel_loop3A_179 = arith.constant 0 : i32
          %parallel_loop3A_180 = vector.broadcast %parallel_loop3A_179 : i32 to vector<16xi32>
          %parallel_loop3A_181 = arith.cmpi sge, %parallel_loop3A_125, %parallel_loop3A_180 : vector<16xi32>
          %parallel_loop3A_182 = arith.constant 8 : i32
          %parallel_loop3A_183 = vector.broadcast %parallel_loop3A_182 : i32 to vector<16xi32>
          %parallel_loop3A_184 = arith.cmpi slt, %parallel_loop3A_125, %parallel_loop3A_183 : vector<16xi32>
          %parallel_loop3A_185 = arith.andi %parallel_loop3A_181, %parallel_loop3A_184 : vector<16xi1>
          %parallel_loop3A_186 = arith.constant -1 : i32
          %parallel_loop3A_187 = vector.broadcast %parallel_loop3A_186 : i32 to vector<16xi32>
          %parallel_loop3A_188 = arith.cmpi sge, %parallel_loop3A_125, %parallel_loop3A_187 : vector<16xi32>
          %parallel_loop3A_189 = arith.constant 7 : i32
          %parallel_loop3A_190 = vector.broadcast %parallel_loop3A_189 : i32 to vector<16xi32>
          %parallel_loop3A_191 = arith.cmpi slt, %parallel_loop3A_125, %parallel_loop3A_190 : vector<16xi32>
          %parallel_loop3A_192 = arith.andi %parallel_loop3A_188, %parallel_loop3A_191 : vector<16xi1>
          %parallel_loop3A_193 = vector.broadcast %scan3A_43 : i32 to vector<16xi32>
          %parallel_loop3A_194 = arith.andi %parallel_loop3A_89, %parallel_loop3A_157 : vector<16xi1>
          %parallel_loop3A_195 = arith.mulf %parallel_loop3A_141, %parallel_loop3A_134 : vector<16xf32>
          %parallel_loop3A_196 = arith.andi %parallel_loop3A_194, %parallel_loop3A_171 : vector<16xi1>
          %parallel_loop3A_197 = arith.mulf %parallel_loop3A_195, %parallel_loop3A_137 : vector<16xf32>
          %parallel_loop3A_198 = arith.andi %parallel_loop3A_196, %parallel_loop3A_185 : vector<16xi1>
          %parallel_loop3A_199 = arith.constant 0 : i32
          %parallel_loop3A_200 = vector.broadcast %parallel_loop3A_199 : i32 to vector<16xi32>
          %parallel_loop3A_201 = arith.addi %parallel_loop3A_150, %parallel_loop3A_200 : vector<16xi32>
          %parallel_loop3A_202 = arith.constant 0 : i32
          %parallel_loop3A_203 = arith.constant 511 : i32
          %parallel_loop3A_204 = vector.broadcast %parallel_loop3A_202 : i32 to vector<16xi32>
          %parallel_loop3A_205 = arith.maxsi %parallel_loop3A_204, %parallel_loop3A_201 : vector<16xi32>
          %parallel_loop3A_206 = vector.broadcast %parallel_loop3A_203 : i32 to vector<16xi32>
          %parallel_loop3A_207 = arith.minsi %parallel_loop3A_206, %parallel_loop3A_205 : vector<16xi32>
          tpu.vector_store_idx %arg14[%parallel_loop3A_193, %parallel_loop3A_207], %parallel_loop3A_197 masked %parallel_loop3A_198 {add = true} : memref<16x512xf32, #tpu.memory_space<vmem>>[vector<16xi32>, vector<16xi32>], vector<16xf32>, vector<16xi1>
          %parallel_loop3A_208 = arith.mulf %parallel_loop3A_195, %parallel_loop3A_131 : vector<16xf32>
          %parallel_loop3A_209 = arith.andi %parallel_loop3A_196, %parallel_loop3A_192 : vector<16xi1>
          %parallel_loop3A_210 = arith.constant 1 : i32
          %parallel_loop3A_211 = vector.broadcast %parallel_loop3A_210 : i32 to vector<16xi32>
          %parallel_loop3A_212 = arith.addi %parallel_loop3A_150, %parallel_loop3A_211 : vector<16xi32>
          %parallel_loop3A_213 = arith.constant 0 : i32
          %parallel_loop3A_214 = arith.constant 511 : i32
          %parallel_loop3A_215 = vector.broadcast %parallel_loop3A_213 : i32 to vector<16xi32>
          %parallel_loop3A_216 = arith.maxsi %parallel_loop3A_215, %parallel_loop3A_212 : vector<16xi32>
          %parallel_loop3A_217 = vector.broadcast %parallel_loop3A_214 : i32 to vector<16xi32>
          %parallel_loop3A_218 = arith.minsi %parallel_loop3A_217, %parallel_loop3A_216 : vector<16xi32>
          tpu.vector_store_idx %arg14[%parallel_loop3A_193, %parallel_loop3A_218], %parallel_loop3A_208 masked %parallel_loop3A_209 {add = true} : memref<16x512xf32, #tpu.memory_space<vmem>>[vector<16xi32>, vector<16xi32>], vector<16xf32>, vector<16xi1>
          %parallel_loop3A_219 = arith.mulf %parallel_loop3A_141, %parallel_loop3A_129 : vector<16xf32>
          %parallel_loop3A_220 = arith.andi %parallel_loop3A_194, %parallel_loop3A_178 : vector<16xi1>
          %parallel_loop3A_221 = arith.mulf %parallel_loop3A_219, %parallel_loop3A_137 : vector<16xf32>
          %parallel_loop3A_222 = arith.andi %parallel_loop3A_220, %parallel_loop3A_185 : vector<16xi1>
          %parallel_loop3A_223 = arith.constant 8 : i32
          %parallel_loop3A_224 = vector.broadcast %parallel_loop3A_223 : i32 to vector<16xi32>
          %parallel_loop3A_225 = arith.addi %parallel_loop3A_150, %parallel_loop3A_224 : vector<16xi32>
          %parallel_loop3A_226 = arith.constant 0 : i32
          %parallel_loop3A_227 = arith.constant 511 : i32
          %parallel_loop3A_228 = vector.broadcast %parallel_loop3A_226 : i32 to vector<16xi32>
          %parallel_loop3A_229 = arith.maxsi %parallel_loop3A_228, %parallel_loop3A_225 : vector<16xi32>
          %parallel_loop3A_230 = vector.broadcast %parallel_loop3A_227 : i32 to vector<16xi32>
          %parallel_loop3A_231 = arith.minsi %parallel_loop3A_230, %parallel_loop3A_229 : vector<16xi32>
          tpu.vector_store_idx %arg14[%parallel_loop3A_193, %parallel_loop3A_231], %parallel_loop3A_221 masked %parallel_loop3A_222 {add = true} : memref<16x512xf32, #tpu.memory_space<vmem>>[vector<16xi32>, vector<16xi32>], vector<16xf32>, vector<16xi1>
          %parallel_loop3A_232 = arith.mulf %parallel_loop3A_219, %parallel_loop3A_131 : vector<16xf32>
          %parallel_loop3A_233 = arith.andi %parallel_loop3A_220, %parallel_loop3A_192 : vector<16xi1>
          %parallel_loop3A_234 = arith.constant 9 : i32
          %parallel_loop3A_235 = vector.broadcast %parallel_loop3A_234 : i32 to vector<16xi32>
          %parallel_loop3A_236 = arith.addi %parallel_loop3A_150, %parallel_loop3A_235 : vector<16xi32>
          %parallel_loop3A_237 = arith.constant 0 : i32
          %parallel_loop3A_238 = arith.constant 511 : i32
          %parallel_loop3A_239 = vector.broadcast %parallel_loop3A_237 : i32 to vector<16xi32>
          %parallel_loop3A_240 = arith.maxsi %parallel_loop3A_239, %parallel_loop3A_236 : vector<16xi32>
          %parallel_loop3A_241 = vector.broadcast %parallel_loop3A_238 : i32 to vector<16xi32>
          %parallel_loop3A_242 = arith.minsi %parallel_loop3A_241, %parallel_loop3A_240 : vector<16xi32>
          tpu.vector_store_idx %arg14[%parallel_loop3A_193, %parallel_loop3A_242], %parallel_loop3A_232 masked %parallel_loop3A_233 {add = true} : memref<16x512xf32, #tpu.memory_space<vmem>>[vector<16xi32>, vector<16xi32>], vector<16xf32>, vector<16xi1>
          %parallel_loop3A_243 = arith.andi %parallel_loop3A_89, %parallel_loop3A_164 : vector<16xi1>
          %parallel_loop3A_244 = arith.mulf %parallel_loop3A_142, %parallel_loop3A_134 : vector<16xf32>
          %parallel_loop3A_245 = arith.andi %parallel_loop3A_243, %parallel_loop3A_171 : vector<16xi1>
          %parallel_loop3A_246 = arith.mulf %parallel_loop3A_244, %parallel_loop3A_137 : vector<16xf32>
          %parallel_loop3A_247 = arith.andi %parallel_loop3A_245, %parallel_loop3A_185 : vector<16xi1>
          %parallel_loop3A_248 = arith.constant 64 : i32
          %parallel_loop3A_249 = vector.broadcast %parallel_loop3A_248 : i32 to vector<16xi32>
          %parallel_loop3A_250 = arith.addi %parallel_loop3A_150, %parallel_loop3A_249 : vector<16xi32>
          %parallel_loop3A_251 = arith.constant 0 : i32
          %parallel_loop3A_252 = arith.constant 511 : i32
          %parallel_loop3A_253 = vector.broadcast %parallel_loop3A_251 : i32 to vector<16xi32>
          %parallel_loop3A_254 = arith.maxsi %parallel_loop3A_253, %parallel_loop3A_250 : vector<16xi32>
          %parallel_loop3A_255 = vector.broadcast %parallel_loop3A_252 : i32 to vector<16xi32>
          %parallel_loop3A_256 = arith.minsi %parallel_loop3A_255, %parallel_loop3A_254 : vector<16xi32>
          tpu.vector_store_idx %arg14[%parallel_loop3A_193, %parallel_loop3A_256], %parallel_loop3A_246 masked %parallel_loop3A_247 {add = true} : memref<16x512xf32, #tpu.memory_space<vmem>>[vector<16xi32>, vector<16xi32>], vector<16xf32>, vector<16xi1>
          %parallel_loop3A_257 = arith.mulf %parallel_loop3A_244, %parallel_loop3A_131 : vector<16xf32>
          %parallel_loop3A_258 = arith.andi %parallel_loop3A_245, %parallel_loop3A_192 : vector<16xi1>
          %parallel_loop3A_259 = arith.constant 65 : i32
          %parallel_loop3A_260 = vector.broadcast %parallel_loop3A_259 : i32 to vector<16xi32>
          %parallel_loop3A_261 = arith.addi %parallel_loop3A_150, %parallel_loop3A_260 : vector<16xi32>
          %parallel_loop3A_262 = arith.constant 0 : i32
          %parallel_loop3A_263 = arith.constant 511 : i32
          %parallel_loop3A_264 = vector.broadcast %parallel_loop3A_262 : i32 to vector<16xi32>
          %parallel_loop3A_265 = arith.maxsi %parallel_loop3A_264, %parallel_loop3A_261 : vector<16xi32>
          %parallel_loop3A_266 = vector.broadcast %parallel_loop3A_263 : i32 to vector<16xi32>
          %parallel_loop3A_267 = arith.minsi %parallel_loop3A_266, %parallel_loop3A_265 : vector<16xi32>
          tpu.vector_store_idx %arg14[%parallel_loop3A_193, %parallel_loop3A_267], %parallel_loop3A_257 masked %parallel_loop3A_258 {add = true} : memref<16x512xf32, #tpu.memory_space<vmem>>[vector<16xi32>, vector<16xi32>], vector<16xf32>, vector<16xi1>
          %parallel_loop3A_268 = arith.mulf %parallel_loop3A_142, %parallel_loop3A_129 : vector<16xf32>
          %parallel_loop3A_269 = arith.andi %parallel_loop3A_243, %parallel_loop3A_178 : vector<16xi1>
          %parallel_loop3A_270 = arith.mulf %parallel_loop3A_268, %parallel_loop3A_137 : vector<16xf32>
          %parallel_loop3A_271 = arith.andi %parallel_loop3A_269, %parallel_loop3A_185 : vector<16xi1>
          %parallel_loop3A_272 = arith.constant 72 : i32
          %parallel_loop3A_273 = vector.broadcast %parallel_loop3A_272 : i32 to vector<16xi32>
          %parallel_loop3A_274 = arith.addi %parallel_loop3A_150, %parallel_loop3A_273 : vector<16xi32>
          %parallel_loop3A_275 = arith.constant 0 : i32
          %parallel_loop3A_276 = arith.constant 511 : i32
          %parallel_loop3A_277 = vector.broadcast %parallel_loop3A_275 : i32 to vector<16xi32>
          %parallel_loop3A_278 = arith.maxsi %parallel_loop3A_277, %parallel_loop3A_274 : vector<16xi32>
          %parallel_loop3A_279 = vector.broadcast %parallel_loop3A_276 : i32 to vector<16xi32>
          %parallel_loop3A_280 = arith.minsi %parallel_loop3A_279, %parallel_loop3A_278 : vector<16xi32>
          tpu.vector_store_idx %arg14[%parallel_loop3A_193, %parallel_loop3A_280], %parallel_loop3A_270 masked %parallel_loop3A_271 {add = true} : memref<16x512xf32, #tpu.memory_space<vmem>>[vector<16xi32>, vector<16xi32>], vector<16xf32>, vector<16xi1>
          %parallel_loop3A_281 = arith.mulf %parallel_loop3A_268, %parallel_loop3A_131 : vector<16xf32>
          %parallel_loop3A_282 = arith.andi %parallel_loop3A_269, %parallel_loop3A_192 : vector<16xi1>
          %parallel_loop3A_283 = arith.constant 73 : i32
          %parallel_loop3A_284 = vector.broadcast %parallel_loop3A_283 : i32 to vector<16xi32>
          %parallel_loop3A_285 = arith.addi %parallel_loop3A_150, %parallel_loop3A_284 : vector<16xi32>
          %parallel_loop3A_286 = arith.constant 0 : i32
          %parallel_loop3A_287 = arith.constant 511 : i32
          %parallel_loop3A_288 = vector.broadcast %parallel_loop3A_286 : i32 to vector<16xi32>
          %parallel_loop3A_289 = arith.maxsi %parallel_loop3A_288, %parallel_loop3A_285 : vector<16xi32>
          %parallel_loop3A_290 = vector.broadcast %parallel_loop3A_287 : i32 to vector<16xi32>
          %parallel_loop3A_291 = arith.minsi %parallel_loop3A_290, %parallel_loop3A_289 : vector<16xi32>
          tpu.vector_store_idx %arg14[%parallel_loop3A_193, %parallel_loop3A_291], %parallel_loop3A_281 masked %parallel_loop3A_282 {add = true} : memref<16x512xf32, #tpu.memory_space<vmem>>[vector<16xi32>, vector<16xi32>], vector<16xf32>, vector<16xi1>
        } {sc.loop_unroll_factor = 2 : i64, sc.parallel_access}
      }
      %scan3A_42 = arith.constant 16 : i32
      "tpu.region"() ({
        %run_scoped3A = tpu.sem_alloc : memref<!tpu.dma_semaphore, #tpu.memory_space<semaphore_mem>>
        %dma_start3A = arith.constant 0 : i32
        %dma_start3A_43 = tpu.memref_slice %arg7[%add3A_34, %dma_start3A] : memref<4096x512xf32, #tpu.memory_space<hbm>> -> memref<16x512xf32, #tpu.memory_space<hbm>>
        %dma_start3A_44 = arith.constant 0 : i32
        %dma_start3A_45 = tpu.memref_slice %arg7[%add3A_34, %dma_start3A_44] : memref<4096x512xf32, #tpu.memory_space<hbm>> -> memref<16x512xf32, #tpu.memory_space<hbm>>
        tpu.enqueue_dma source(%arg14 : memref<16x512xf32, #tpu.memory_space<vmem>>) target(%dma_start3A_45 : memref<16x512xf32, #tpu.memory_space<hbm>>) target_semaphore(%run_scoped3A : memref<!tpu.dma_semaphore, #tpu.memory_space<semaphore_mem>>)
        %dma_wait3A = arith.constant 0 : i32
        %dma_wait3A_46 = tpu.memref_slice %arg7[%add3A_34, %dma_wait3A] : memref<4096x512xf32, #tpu.memory_space<hbm>> -> memref<16x512xf32, #tpu.memory_space<hbm>>
        %dma_wait3A_47 = arith.constant 0 : i32
        %dma_wait3A_48 = tpu.memref_slice %arg7[%add3A_34, %dma_wait3A_47] : memref<4096x512xf32, #tpu.memory_space<hbm>> -> memref<16x512xf32, #tpu.memory_space<hbm>>
        tpu.wait_dma2 semaphore(%run_scoped3A : memref<!tpu.dma_semaphore, #tpu.memory_space<semaphore_mem>>) src(%arg14 : memref<16x512xf32, #tpu.memory_space<vmem>>) dst(%dma_wait3A_48 : memref<16x512xf32, #tpu.memory_space<hbm>>)
        tpu.yield
      }) : () -> ()
    }
    %scan3A_30 = arith.constant 8 : i32
    return
  }
}

module attributes {stable_mosaic.version = 14 : i64} {
  func.func @_tc_body(%arg0: i32, %arg1: i32, %arg2: memref<1x512x256xf32, #tpu.memory_space<vmem>>, %arg3: memref<1x1024x256xf32, #tpu.memory_space<vmem>>, %arg4: memref<1x512x3xf32, #tpu.memory_space<vmem>>, %arg5: memref<1x1024x3xf32, #tpu.memory_space<vmem>>, %arg6: memref<1x3x1024xf32, #tpu.memory_space<vmem>>, %arg7: memref<1x1x1024xf32, #tpu.memory_space<vmem>>, %arg8: memref<1x512x1024xf32, #tpu.memory_space<vmem>>, %arg9: memref<1x512x3xf32, #tpu.memory_space<vmem>>) attributes {dimension_semantics = [#tpu.dimension_semantics<arbitrary>, #tpu.dimension_semantics<arbitrary>], iteration_bounds = array<i64: 4, 2>, scalar_prefetch = 0 : i64, scratch_operands = 0 : i64, tpu.core_type = #tpu.core_type<tc>, window_params = [{transform_indices = @transform_0, window_bounds = array<i64: 1, 512, 256>}, {transform_indices = @transform_1, window_bounds = array<i64: 1, 1024, 256>}, {transform_indices = @transform_2, window_bounds = array<i64: 1, 512, 3>}, {transform_indices = @transform_3, window_bounds = array<i64: 1, 1024, 3>}, {transform_indices = @transform_4, window_bounds = array<i64: 1, 3, 1024>}, {transform_indices = @transform_5, window_bounds = array<i64: 1, 1, 1024>}, {transform_indices = @transform_6, window_bounds = array<i64: 1, 512, 1024>}, {transform_indices = @transform_7, window_bounds = array<i64: 1, 512, 3>}]} {
    %get3A = arith.constant 0 : index
    %get3A_0 = arith.constant 0 : index
    %get3A_1 = arith.constant 0 : index
    %get3A_2 = vector.load %arg2[%get3A, %get3A_0, %get3A_1] : memref<1x512x256xf32, #tpu.memory_space<vmem>>, vector<1x512x256xf32>
    %get3A_3 = vector.shape_cast %get3A_2 : vector<1x512x256xf32> to vector<512x256xf32>
    %get3A_4 = arith.constant 0 : index
    %get3A_5 = arith.constant 0 : index
    %get3A_6 = arith.constant 0 : index
    %get3A_7 = vector.load %arg3[%get3A_4, %get3A_5, %get3A_6] : memref<1x1024x256xf32, #tpu.memory_space<vmem>>, vector<1x1024x256xf32>
    %get3A_8 = vector.shape_cast %get3A_7 : vector<1x1024x256xf32> to vector<1024x256xf32>
    %dot_general3A = arith.constant dense<0.000000e+00> : vector<512x1024xf32>
    %dot_general3A_9 = tpu.matmul %get3A_3, %get3A_8, %dot_general3A {dimension_numbers = #tpu.dot_dimension_numbers<[1], [1], [0], [0], [0, 0, 1, 0], [], []>, transpose_lhs_hint = false} : vector<512x256xf32>, vector<1024x256xf32>, vector<512x1024xf32> -> vector<512x1024xf32>
    %mul3A = arith.constant 6.250000e-02 : f32
    %mul3A_10 = vector.broadcast %mul3A : f32 to vector<512x1024xf32>
    %mul3A_11 = arith.mulf %dot_general3A_9, %mul3A_10 : vector<512x1024xf32>
    %get3A_12 = arith.constant 0 : index
    %get3A_13 = arith.constant 0 : index
    %get3A_14 = arith.constant 0 : index
    %get3A_15 = vector.load %arg4[%get3A_12, %get3A_13, %get3A_14] : memref<1x512x3xf32, #tpu.memory_space<vmem>>, vector<1x512x3xf32>
    %get3A_16 = vector.shape_cast %get3A_15 : vector<1x512x3xf32> to vector<512x3xf32>
    %get3A_17 = arith.constant 0 : index
    %get3A_18 = arith.constant 0 : index
    %get3A_19 = arith.constant 0 : index
    %get3A_20 = vector.load %arg5[%get3A_17, %get3A_18, %get3A_19] : memref<1x1024x3xf32, #tpu.memory_space<vmem>>, vector<1x1024x3xf32>
    %get3A_21 = vector.shape_cast %get3A_20 : vector<1x1024x3xf32> to vector<1024x3xf32>
    %get3A_22 = arith.constant 0 : index
    %get3A_23 = arith.constant 0 : index
    %get3A_24 = arith.constant 0 : index
    %get3A_25 = vector.load %arg6[%get3A_22, %get3A_23, %get3A_24] : memref<1x3x1024xf32, #tpu.memory_space<vmem>>, vector<1x3x1024xf32>
    %get3A_26 = vector.shape_cast %get3A_25 : vector<1x3x1024xf32> to vector<3x1024xf32>
    %slice3A = vector.extract_strided_slice %get3A_16 {offsets = [0, 0], sizes = [512, 1], strides = [1, 1]} : vector<512x3xf32> to vector<512x1xf32>
    %slice3A_27 = vector.extract_strided_slice %get3A_16 {offsets = [0, 0], sizes = [512, 1], strides = [1, 1]} : vector<512x3xf32> to vector<512x1xf32>
    %mul3A_28 = arith.mulf %slice3A, %slice3A_27 : vector<512x1xf32>
    %slice3A_29 = vector.extract_strided_slice %get3A_16 {offsets = [0, 1], sizes = [512, 1], strides = [1, 1]} : vector<512x3xf32> to vector<512x1xf32>
    %slice3A_30 = vector.extract_strided_slice %get3A_16 {offsets = [0, 1], sizes = [512, 1], strides = [1, 1]} : vector<512x3xf32> to vector<512x1xf32>
    %mul3A_31 = arith.mulf %slice3A_29, %slice3A_30 : vector<512x1xf32>
    %add3A = arith.addf %mul3A_28, %mul3A_31 : vector<512x1xf32>
    %slice3A_32 = vector.extract_strided_slice %get3A_16 {offsets = [0, 2], sizes = [512, 1], strides = [1, 1]} : vector<512x3xf32> to vector<512x1xf32>
    %slice3A_33 = vector.extract_strided_slice %get3A_16 {offsets = [0, 2], sizes = [512, 1], strides = [1, 1]} : vector<512x3xf32> to vector<512x1xf32>
    %mul3A_34 = arith.mulf %slice3A_32, %slice3A_33 : vector<512x1xf32>
    %add3A_35 = arith.addf %add3A, %mul3A_34 : vector<512x1xf32>
    %slice3A_36 = vector.extract_strided_slice %get3A_26 {offsets = [0, 0], sizes = [1, 1024], strides = [1, 1]} : vector<3x1024xf32> to vector<1x1024xf32>
    %slice3A_37 = vector.extract_strided_slice %get3A_26 {offsets = [0, 0], sizes = [1, 1024], strides = [1, 1]} : vector<3x1024xf32> to vector<1x1024xf32>
    %mul3A_38 = arith.mulf %slice3A_36, %slice3A_37 : vector<1x1024xf32>
    %slice3A_39 = vector.extract_strided_slice %get3A_26 {offsets = [1, 0], sizes = [1, 1024], strides = [1, 1]} : vector<3x1024xf32> to vector<1x1024xf32>
    %slice3A_40 = vector.extract_strided_slice %get3A_26 {offsets = [1, 0], sizes = [1, 1024], strides = [1, 1]} : vector<3x1024xf32> to vector<1x1024xf32>
    %mul3A_41 = arith.mulf %slice3A_39, %slice3A_40 : vector<1x1024xf32>
    %add3A_42 = arith.addf %mul3A_38, %mul3A_41 : vector<1x1024xf32>
    %slice3A_43 = vector.extract_strided_slice %get3A_26 {offsets = [2, 0], sizes = [1, 1024], strides = [1, 1]} : vector<3x1024xf32> to vector<1x1024xf32>
    %slice3A_44 = vector.extract_strided_slice %get3A_26 {offsets = [2, 0], sizes = [1, 1024], strides = [1, 1]} : vector<3x1024xf32> to vector<1x1024xf32>
    %mul3A_45 = arith.mulf %slice3A_43, %slice3A_44 : vector<1x1024xf32>
    %add3A_46 = arith.addf %add3A_42, %mul3A_45 : vector<1x1024xf32>
    %broadcast_in_dim3A = arith.constant 1.000000e+00 : f32
    %broadcast_in_dim3A_47 = vector.broadcast %broadcast_in_dim3A : f32 to vector<1024x1xf32>
    %dot_general3A_48 = arith.constant dense<0.000000e+00> : vector<512x1024xf32>
    %dot_general3A_49 = tpu.matmul %get3A_16, %get3A_21, %dot_general3A_48 {dimension_numbers = #tpu.dot_dimension_numbers<[1], [1], [0], [0], [0, 0, 1, 0], [], []>, transpose_lhs_hint = false} : vector<512x3xf32>, vector<1024x3xf32>, vector<512x1024xf32> -> vector<512x1024xf32>
    %add3A_50 = vector.broadcast %add3A_35 : vector<512x1xf32> to vector<512x1024xf32>
    %add3A_51 = vector.broadcast %add3A_46 : vector<1x1024xf32> to vector<512x1024xf32>
    %add3A_52 = arith.addf %add3A_50, %add3A_51 : vector<512x1024xf32>
    %mul3A_53 = arith.constant 2.000000e+00 : f32
    %mul3A_54 = vector.broadcast %mul3A_53 : f32 to vector<512x1024xf32>
    %mul3A_55 = arith.mulf %mul3A_54, %dot_general3A_49 : vector<512x1024xf32>
    %sub3A = arith.subf %add3A_52, %mul3A_55 : vector<512x1024xf32>
    %get3A_56 = arith.constant 0 : index
    %get3A_57 = arith.constant 0 : index
    %get3A_58 = arith.constant 0 : index
    %get3A_59 = vector.load %arg7[%get3A_56, %get3A_57, %get3A_58] : memref<1x1x1024xf32, #tpu.memory_space<vmem>>, vector<1x1x1024xf32>
    %get3A_60 = vector.shape_cast %get3A_59 : vector<1x1x1024xf32> to vector<1x1024xf32>
    %le3A = arith.constant 3.240000e-02 : f32
    %le3A_61 = vector.broadcast %le3A : f32 to vector<512x1024xf32>
    %le3A_62 = arith.cmpf ole, %sub3A, %le3A_61 : vector<512x1024xf32>
    %eq3A = arith.constant 0.000000e+00 : f32
    %eq3A_63 = vector.broadcast %eq3A : f32 to vector<1x1024xf32>
    %eq3A_64 = arith.cmpf oeq, %get3A_60, %eq3A_63 : vector<1x1024xf32>
    %and3A = vector.broadcast %eq3A_64 : vector<1x1024xi1> to vector<512x1024xi1>
    %and3A_65 = arith.andi %le3A_62, %and3A : vector<512x1024xi1>
    %jit3A = arith.constant 0.000000e+00 : f32
    %broadcast_in_dim3A_66 = vector.broadcast %jit3A : f32 to vector<512x1024xf32>
    %select_n3A = arith.select %and3A_65, %mul3A_11, %broadcast_in_dim3A_66 : vector<512x1024xi1>, vector<512x1024xf32>
    %jit3A_67 = arith.constant 0xFF800000 : f32
    %broadcast_in_dim3A_68 = vector.broadcast %jit3A_67 : f32 to vector<512x1024xf32>
    %select_n3A_69 = arith.select %and3A_65, %select_n3A, %broadcast_in_dim3A_68 : vector<512x1024xi1>, vector<512x1024xf32>
    %reduce_max3A = arith.constant dense<0xFF800000> : vector<512xf32>
    %reduce_max3A_70 = vector.multi_reduction <maximumf>, %select_n3A_69, %reduce_max3A [1] : vector<512x1024xf32> to vector<512xf32>
    %broadcast_in_dim3A_71 = vector.shape_cast %reduce_max3A_70 : vector<512xf32> to vector<512x1xf32>
    %eq3A_72 = arith.constant 0xFF800000 : f32
    %eq3A_73 = vector.broadcast %eq3A_72 : f32 to vector<512x1xf32>
    %eq3A_74 = arith.cmpf oeq, %broadcast_in_dim3A_71, %eq3A_73 : vector<512x1xf32>
    %jit3A_75 = arith.constant 0.000000e+00 : f32
    %broadcast_in_dim3A_76 = vector.broadcast %jit3A_75 : f32 to vector<512x1xf32>
    %select_n3A_77 = arith.select %eq3A_74, %broadcast_in_dim3A_76, %broadcast_in_dim3A_71 : vector<512x1xi1>, vector<512x1xf32>
    %sub3A_78 = vector.broadcast %select_n3A_77 : vector<512x1xf32> to vector<512x1024xf32>
    %sub3A_79 = arith.subf %select_n3A, %sub3A_78 : vector<512x1024xf32>
    %exp3A = math.exp %sub3A_79 : vector<512x1024xf32>
    %jit3A_80 = arith.constant 0.000000e+00 : f32
    %broadcast_in_dim3A_81 = vector.broadcast %jit3A_80 : f32 to vector<512x1024xf32>
    %select_n3A_82 = arith.select %and3A_65, %exp3A, %broadcast_in_dim3A_81 : vector<512x1024xi1>, vector<512x1024xf32>
    %reduce_sum3A = arith.constant dense<0.000000e+00> : vector<512xf32>
    %reduce_sum3A_83 = vector.multi_reduction <add>, %select_n3A_82, %reduce_sum3A [1] : vector<512x1024xf32> to vector<512xf32>
    %broadcast_in_dim3A_84 = vector.shape_cast %reduce_sum3A_83 : vector<512xf32> to vector<512x1xf32>
    %gt3A = arith.constant 0.000000e+00 : f32
    %gt3A_85 = vector.broadcast %gt3A : f32 to vector<512x1xf32>
    %gt3A_86 = arith.cmpf ogt, %broadcast_in_dim3A_84, %gt3A_85 : vector<512x1xf32>
    %jit3A_87 = arith.constant 1.000000e+00 : f32
    %broadcast_in_dim3A_88 = vector.broadcast %jit3A_87 : f32 to vector<512x1xf32>
    %select_n3A_89 = arith.select %gt3A_86, %broadcast_in_dim3A_84, %broadcast_in_dim3A_88 : vector<512x1xi1>, vector<512x1xf32>
    %div3A = vector.broadcast %select_n3A_89 : vector<512x1xf32> to vector<512x1024xf32>
    %div3A_90 = arith.divf %select_n3A_82, %div3A : vector<512x1024xf32>
    %swap3A = arith.constant 0 : index
    %swap3A_91 = arith.constant 0 : index
    %swap3A_92 = arith.constant 0 : index
    %swap3A_93 = vector.load %arg8[%swap3A, %swap3A_91, %swap3A_92] : memref<1x512x1024xf32, #tpu.memory_space<vmem>>, vector<1x512x1024xf32>
    %swap3A_94 = vector.shape_cast %swap3A_93 : vector<1x512x1024xf32> to vector<512x1024xf32>
    %swap3A_95 = vector.shape_cast %div3A_90 : vector<512x1024xf32> to vector<1x512x1024xf32>
    tpu.vector_store %arg8[%swap3A, %swap3A_91, %swap3A_92], %swap3A_95 {strides = array<i32>} : memref<1x512x1024xf32, #tpu.memory_space<vmem>>, vector<1x512x1024xf32>,
    %concatenate3A = tpu.concatenate %get3A_21, %broadcast_in_dim3A_47 in 1 : vector<1024x3xf32>, vector<1024x1xf32> -> vector<1024x4xf32>
    %dot_general3A_96 = arith.constant dense<0.000000e+00> : vector<512x4xf32>
    %dot_general3A_97 = tpu.matmul %div3A_90, %concatenate3A, %dot_general3A_96 {dimension_numbers = #tpu.dot_dimension_numbers<[1], [0], [0], [1], [0, 0, 1, 1], [], []>, precision = #tpu.contract_precision<fp32>, transpose_lhs_hint = false} : vector<512x1024xf32>, vector<1024x4xf32>, vector<512x4xf32> -> vector<512x4xf32>
    %slice3A_98 = vector.extract_strided_slice %dot_general3A_97 {offsets = [0, 0], sizes = [512, 3], strides = [1, 1]} : vector<512x4xf32> to vector<512x3xf32>
    %slice3A_99 = vector.extract_strided_slice %dot_general3A_97 {offsets = [0, 3], sizes = [512, 1], strides = [1, 1]} : vector<512x4xf32> to vector<512x1xf32>
    %mul3A_100 = vector.broadcast %slice3A_99 : vector<512x1xf32> to vector<512x3xf32>
    %mul3A_101 = arith.mulf %get3A_16, %mul3A_100 : vector<512x3xf32>
    %sub3A_102 = arith.subf %slice3A_98, %mul3A_101 : vector<512x3xf32>
    %swap3A_103 = arith.constant 0 : index
    %swap3A_104 = arith.constant 0 : index
    %swap3A_105 = arith.constant 0 : index
    %swap3A_106 = vector.load %arg9[%swap3A_103, %swap3A_104, %swap3A_105] : memref<1x512x3xf32, #tpu.memory_space<vmem>>, vector<1x512x3xf32>
    %swap3A_107 = vector.shape_cast %swap3A_106 : vector<1x512x3xf32> to vector<512x3xf32>
    %swap3A_108 = vector.shape_cast %sub3A_102 : vector<512x3xf32> to vector<1x512x3xf32>
    tpu.vector_store %arg9[%swap3A_103, %swap3A_104, %swap3A_105], %swap3A_108 {strides = array<i32>} : memref<1x512x3xf32, #tpu.memory_space<vmem>>, vector<1x512x3xf32>,
    return
  }
  func.func @transform_0(%arg0: i32, %arg1: i32) -> (i32, i32, i32) {
    %c0_i32 = arith.constant 0 : i32
    %c0_i32_0 = arith.constant 0 : i32
    return %arg0, %arg1, %c0_i32 : i32, i32, i32
  }
  func.func @transform_1(%arg0: i32, %arg1: i32) -> (i32, i32, i32) {
    %c0_i32 = arith.constant 0 : i32
    %c0_i32_0 = arith.constant 0 : i32
    %c0_i32_1 = arith.constant 0 : i32
    return %arg0, %c0_i32, %c0_i32_0 : i32, i32, i32
  }
  func.func @transform_2(%arg0: i32, %arg1: i32) -> (i32, i32, i32) {
    %c0_i32 = arith.constant 0 : i32
    %c0_i32_0 = arith.constant 0 : i32
    return %arg0, %arg1, %c0_i32 : i32, i32, i32
  }
  func.func @transform_3(%arg0: i32, %arg1: i32) -> (i32, i32, i32) {
    %c0_i32 = arith.constant 0 : i32
    %c0_i32_0 = arith.constant 0 : i32
    %c0_i32_1 = arith.constant 0 : i32
    return %arg0, %c0_i32, %c0_i32_0 : i32, i32, i32
  }
  func.func @transform_4(%arg0: i32, %arg1: i32) -> (i32, i32, i32) {
    %c0_i32 = arith.constant 0 : i32
    %c0_i32_0 = arith.constant 0 : i32
    %c0_i32_1 = arith.constant 0 : i32
    return %arg0, %c0_i32, %c0_i32_0 : i32, i32, i32
  }
  func.func @transform_5(%arg0: i32, %arg1: i32) -> (i32, i32, i32) {
    %c0_i32 = arith.constant 0 : i32
    %c0_i32_0 = arith.constant 0 : i32
    %c0_i32_1 = arith.constant 0 : i32
    return %arg0, %c0_i32, %c0_i32_0 : i32, i32, i32
  }
  func.func @transform_6(%arg0: i32, %arg1: i32) -> (i32, i32, i32) {
    %c0_i32 = arith.constant 0 : i32
    %c0_i32_0 = arith.constant 0 : i32
    return %arg0, %arg1, %c0_i32 : i32, i32, i32
  }
  func.func @transform_7(%arg0: i32, %arg1: i32) -> (i32, i32, i32) {
    %c0_i32 = arith.constant 0 : i32
    %c0_i32_0 = arith.constant 0 : i32
    return %arg0, %arg1, %c0_i32 : i32, i32, i32
  }
}

</mosaic_0001>

<sc_bundles>
// kernel: kernel.4.cloned.1.call-start
scs
__scs_entry_jumppad:
0x0: {  	(pc) =	sbr.rel $0x88, $3  }
0x1: {  	(tag) =	ssettag $0x0;
	lr =	simm.s32 $0x1  }
0x2: {  	[smem:$0x3F9C] =	sst lr;
	_ =	strace $0xD0000000  }
0x3: {  	_ = 	snop  }
0x4: {  	_ = 	snop  }
0x5: {  	_ = 	snop  }
0x6: {  	_ = 	snop  }
0x7: {  	_ = 	snop  }
__scs_overlays_trampoline_lowered:
0x8: {  	[smem:$0x3FAB] =	sst s0  }
0x9: {  	[smem:$0x3FAC] =	sst s1  }
0xa: {  	[smem:$0x3FAD] =	sst s2  }
0xb: {  	[smem:$0x3FAE] =	sst s3  }
0xc: {  	[smem:$0x3FAF] =	sst s4  }
0xd: {  	[smem:$0x3FB0] =	sst s5  }
0xe: {  	[smem:$0x3FB1] =	sst s6  }
0xf: {  	[smem:$0x3FB2] =	sst s7  }
0x10: {  	[smem:$0x3FB3] =	sst s8  }
0x11: {  	[smem:$0x3FB4] =	sst s9;
	s0 =	simm.s32 @!p0 $0x0  }
0x12: {  	s1 =	sld [smem:$0x3F9A];
	s0 =	simm.s32 @p0 $0x1  }
0x13: {  	[smem:$0x3FB5] =	sst s0;
	s0 =	simm.s32 @!p1 $0x0  }
0x14: {  	s2 =	sld [smem:$0x3F99];
	s0 =	simm.s32 @p1 $0x1  }
0x15: {  	[smem:$0x3FB6] =	sst s0;
	s0 =	simm.s32 @!p2 $0x0  }
0x16: {  	s3 =	sld [smem:$0x3FDB];
	s0 =	simm.s32 @p2 $0x1  }
0x17: {  	s4 =	simm.s32 $0x1BF5;
	[smem:$0x3FB8] =	sst s0  }
0x18: {  	s0 =	sld [smem:$0x3F9B];
	_ =	swait.ge [sflag:s4], $0x0  }
0x19: {  	s7 =	sld [smem:$0x3F9C]  }
0x1a: {  	s8 =	sadd.s32 $0xFFFFE003, lr  }
0x1b: {  	s9 =	sadd.s32 $0xFFFFFEF7, lr;
	s5 =	simm.s32 $0xFFFFFFFF;
	p2 =	slt.u32 s8, $0xFFFFF086  }
0x1c: {  	p1 =	slt.u32 s9, $0xF7A;
	s5 =	simm.s32 @!p2 $0x0  }
0x1d: {  	s5 =	simm.s32 @p1 $0x1;
	p0 =	seq.s32 s7, s2  }
0x1e: {  	s7 =	smul.u32 @!p0 $0xF7A, s2;
	p2 =	seq.s32 @!p0 s5, $0x0  }
0x1f: {  	s9 =	smul.u32 $0xF7A, s1;
	s8 =	simm.s32 @!p0 $0x1BF5;
	p2 =	por !p2, p0  }
0x20: {  	[sflag:s8] =	ssyncset.s32 @!p0 $0xFFFFF086;
	s6 =	sadd.s32 @!p0 s3, s7;
	s7 =	simm.s32 @!p0 $0x108  }
0x21: {  	s3 =	sadd.s32 s3, s9;
	s6 =	sadd.s32 @!p0 $0x88, s6;
	s7 =	simm.s32 @p2 $0x1082  }
0x22: {  	[simem:s7], [sflag:s8] =	dma.local @!p0 [hbm:s6], $0xF7A  }
0x23: {  	s9 =	sor.u32 $0xD0000000, s2;
	s6 =	simm.s32 $0x108;
	_ =	swait.ge @!p0 [sflag:s8], $0x0  }
0x24: {  	s3 =	sadd.s32 $0x88, s3;
	s6 =	simm.s32 @!p1 $0x1082;
	[sflag:s4] =	ssyncset.s32 $0xFFFFF086  }
0x25: {  	[simem:s6], [sflag:s4] =	dma.local [hbm:s3], $0xF7A  }
0x26: {  	[smem:$0x3F9C] =	sst s1;
	(tag) =	ssettag s2;
	_ =	strace s9  }
0x27: {  	s1 =	sld [smem:$0x3FAC]  }
0x28: {  	s2 =	sld [smem:$0x3FAD]  }
0x29: {  	s4 =	sld [smem:$0x3FAF]  }
0x2a: {  	p0 =	seq.s32 s5, $0x0;
	s5 =	sld [smem:$0x3FB0]  }
0x2b: {  	s6 =	sld [smem:$0x3FB1]  }
0x2c: {  	s7 =	sld [smem:$0x3FB2]  }
0x2d: {  	s3 =	simm.s32 $0x108;
	s8 =	sld [smem:$0x3FB3]  }
0x2e: {  	s3 =	simm.s32 @!p0 $0x1082;
	s9 =	sld [smem:$0x3FB4]  }
0x2f: {  	lr =	sadd.s32 s0, s3;
	s0 =	sld [smem:$0x3FAB]  }
0x30: {  	s3 =	sld [smem:$0x3FAE]  }
0x31: {  	[smem:$0x3FB7] =	sst s10  }
0x32: {  	s10 =	sld [smem:$0x3FB5];
	_ =	sdelay $0x3  }
0x33: {  	p0 =	seq.s32 s10, $0x1;
	s10 =	sld [smem:$0x3FB7];
	_ =	sdelay $0x3  }
0x34: {  	[smem:$0x3FB7] =	sst s10  }
0x35: {  	s10 =	sld [smem:$0x3FB6];
	_ =	sdelay $0x3  }
0x36: {  	p1 =	seq.s32 s10, $0x1;
	s10 =	sld [smem:$0x3FB7];
	_ =	sdelay $0x3  }
0x37: {  	[smem:$0x3FB7] =	sst s10  }
0x38: {  	s10 =	sld [smem:$0x3FB8]  }
0x39: {  	_ = 	snop;
	(pc) =	sbr.ind lr, $3  }
0x3a: {  	_ = 	snop  }
0x3b: {  	_ = 	snop  }
0x3c: {  	p2 =	seq.s32 s10, $0x1;
	s10 =	sld [smem:$0x3FB7]  }
0x3d: {  	_ =	shalt  }
0x3e: {  	_ =	shalt  }
0x3f: {  	_ =	shalt  }
0x40: {  	_ =	shalt  }
0x41: {  	_ =	shalt  }
0x42: {  	_ =	shalt  }
0x43: {  	_ =	shalt  }
0x44: {  	_ =	shalt  }
0x45: {  	_ =	shalt  }
0x46: {  	_ =	shalt  }
0x47: {  	_ =	shalt  }
0x48: {  	_ =	shalt  }
0x49: {  	_ =	shalt  }
0x4a: {  	_ =	shalt  }
0x4b: {  	_ =	shalt  }
0x4c: {  	_ =	shalt  }
0x4d: {  	_ =	shalt  }
0x4e: {  	_ =	shalt  }
0x4f: {  	_ =	shalt  }
0x50: {  	_ =	shalt  }
0x51: {  	_ =	shalt  }
0x52: {  	_ =	shalt  }
0x53: {  	_ =	shalt  }
0x54: {  	_ =	shalt  }
0x55: {  	_ =	shalt  }
0x56: {  	_ =	shalt  }
0x57: {  	_ =	shalt  }
0x58: {  	_ =	shalt  }
0x59: {  	_ =	shalt  }
0x5a: {  	_ =	shalt  }
0x5b: {  	_ =	shalt  }
0x5c: {  	_ =	shalt  }
0x5d: {  	_ =	shalt  }
0x5e: {  	_ =	shalt  }
0x5f: {  	_ =	shalt  }
0x60: {  	_ =	shalt  }
0x61: {  	_ =	shalt  }
0x62: {  	_ =	shalt  }
0x63: {  	_ =	shalt  }
0x64: {  	_ =	shalt  }
0x65: {  	_ =	shalt  }
0x66: {  	_ =	shalt  }
0x67: {  	_ =	shalt  }
0x68: {  	_ =	shalt  }
0x69: {  	_ =	shalt  }
0x6a: {  	_ =	shalt  }
0x6b: {  	_ =	shalt  }
0x6c: {  	_ =	shalt  }
0x6d: {  	_ =	shalt  }
0x6e: {  	_ =	shalt  }
0x6f: {  	_ =	shalt  }
0x70: {  	_ =	shalt  }
0x71: {  	_ =	shalt  }
0x72: {  	_ =	shalt  }
0x73: {  	_ =	shalt  }
0x74: {  	_ =	shalt  }
0x75: {  	_ =	shalt  }
0x76: {  	_ =	shalt  }
0x77: {  	_ =	shalt  }
0x78: {  	_ =	shalt  }
0x79: {  	_ =	shalt  }
0x7a: {  	_ =	shalt  }
0x7b: {  	_ =	shalt  }
0x7c: {  	_ =	shalt  }
0x7d: {  	_ =	shalt  }
0x7e: {  	_ =	shalt  }
0x7f: {  	_ =	shalt  }
0x80: {  	_ =	shalt  }
0x81: {  	_ =	shalt  }
0x82: {  	_ =	shalt  }
0x83: {  	_ =	shalt  }
0x84: {  	_ =	shalt  }
0x85: {  	_ =	shalt  }
0x86: {  	_ =	shalt  }
0x87: {  	_ =	shalt  }
.Lfunc_end0:
.L_simem_size_0:
called_computation_lowered:
.L_overlay_start_0:
0x88: {  	s2 =	sld [smem:$0x3FD9]  }
0x89: {  	s3 =	sld [smem:$0x3FFE];
	_ =	sdelay $0x1  }
0x8a: {  	s1 =	srdreg.scid  }
0x8b: {  	s0 =	sand.u32 $0x1, s1  }
0x8c: {  	s14 =	sshll.u32 s0, $0xA;
	s2 =	sadd.s32 s3, s2  }
0x8d: {  	s2 =	sadd.s32 s2, s14  }
0x8e: {  	[smem:$0x3FC3] =	sst s2  }
0x8f: {  	_ = 	snop  }
0x90: {  	s2 =	sld [smem:$0x3FD0];
	_ =	sdelay $0x2  }
0x91: {  	s15 =	simm.s32 $0xA;
	s4 =	simm.s32 $0x10  }
0x92: {  	[smem:s4], [sflag:s15] =	dma.local [hbm:s2], $0x1  }
0x93: {  	_ =	swait.eq [sflag:s15], $0x1  }
0x94: {  	[sflag:s15] =	ssyncset.done $0x0  }
0x95: {  	[sflag:s15] =	ssyncadd.s32 $0xFFFFFFFF  }
0x96: {  	s16 =	sld [smem:$0x11];
	(tm) =	ssettm $0x1  }
0x97: {  	s17 =	sld [smem:$0x3FFB];
	_ =	sdelay $0x3  }
0x98: {  	_ =	strace s17  }
0x99: {  	s3 =	sld [smem:$0x3FFC];
	_ =	sdelay $0x3  }
0x9a: {  	_ =	strace s3  }
0x9b: {  	s3 =	sld [smem:$0x3FFD];
	_ =	sdelay $0x3  }
0x9c: {  	_ =	strace s3  }
0x9d: {  	_ =	strace $0x8FFFFFFF  }
0x9e: {  	s18 =	sld [smem:$0x3FDB];
	_ =	sdelay $0x1  }
0x9f: {  	s19 =	simm.s32 $_scs_section_size  }
0xa0: {  	s5 =	simm.s32 $_size__tile_overlayer_lowered;
	s6 =	simm.s32 $_tile_overlayer_lowered  }
0xa1: {  	s22 =	simm.s32 $0x1BFF;
	s21 =	sshll.u32 s6, $0x1;
	s3 =	sadd.s32 s19, s18  }
0xa2: {  	s7 =	simm.s32 $0x0;
	s20 =	sshll.u32 s5, $0x1;
	s5 =	sadd.s32 s21, s3  }
0xa3: {  	[timem:s7], [sflag:s22] =	dma.local [hbm:s5], s20  }
0xa4: {  	_ =	swait.ge [sflag:s22], s20  }
0xa5: {  	s4 =	ssub.s32 $0x0, s20;
	[sflag:s22] =	ssyncset.done $0x0  }
0xa6: {  	[sflag:s22] =	ssyncadd.s32 s4;
	_ =	sdelay $0x1  }
0xa7: {  	s23 =	simm.s32 $0x1B8B  }
0xa8: {  	_ =	swait.ge [sflag:s23], $0x1  }
0xa9: {  	[sflag:s23] =	ssyncset.done $0x0  }
0xaa: {  	s25 =	simm.s32 $0x1B8E;
	s24 =	sld [smem:$0x3FFE];
	[sflag:s23] =	ssyncadd.s32 $0xFFFFFFFF  }
0xab: {  	s26 =	simm.s32 $execute0_lowered;
	[smem:$0x3FD2] =	sst s25  }
0xac: {  	s5 =	sshll.u32 s26, $0x1;
	_ =	strace $0x80000046;
	[dreg:$0x1] =	wrdreg $0xFFFFFFFF  }
0xad: {  	s28 =	simm.s32 $_size_execute0_lowered;
	s3 =	sadd.s32 s3, s5;
	[dreg:$0x0] =	wrdreg $0x0  }
0xae: {  	s5 =	sshll.u32 s28, $0x1;
	[dreg:$0x2] =	wrdreg s3  }
0xaf: {  	[dreg:$0x3] =	wrdreg s5  }
0xb0: {  	[dreg:$0x4] =	wrdreg $0xC0  }
0xb1: {  	_ =	task [dreg:s7], $0x5FFFF  }
0xb2: {  	[dreg:$0x1] =	wrdreg $0xFFFFFFFF  }
0xb3: {  	[dreg:$0x0] =	wrdreg $0x60  }
0xb4: {  	[dreg:$0x2] =	wrdreg s24  }
0xb5: {  	[dreg:$0x3] =	wrdreg s16  }
0xb6: {  	[dreg:$0x4] =	wrdreg $0x9  }
0xb7: {  	_ =	task.clear_ibuf [dreg:s7], $0x5FFFF;
	_ =	strace $0x90000046  }
0xb8: {  	s29 =	simm.s32 $0x9;
	_ =	strace $0x80000048  }
0xb9: {  	_ =	swait.ge [sflag:s29], $0x1  }
0xba: {  	[sflag:s29] =	ssyncadd.s32 $0xFFFFFFFF  }
0xbb: {  	_ =	strace $0x90000048  }
0xbc: {  	_ =	sfence  }
0xbd: {  	s30 =	sld [smem:$0x0];
	_ =	sdelay $0x2  }
0xbe: {  	s31 =	sshll.u32 s1, $0xD;
	s1 =	sshrl.u32 s1, $0x2  }
0xbf: {  	s3 =	sand.u32 $0x4000, s31;
	s1 =	sadd.s32 s1, s30  }
0xc0: {  	s0 =	sor.u32 s3, s0;
	s1 =	sshll.u32 s1, $0x11  }
0xc1: {  	s0 =	sor.u32 s1, s0  }
0xc2: {  	s0 =	sadd.s32 $0x8F2B, s0  }
0xc3: {  	[sflag:s0] =	ssyncadd.remote.s32 $0x1  }
0xc4: {  	_ =	sfence.sel $0xFFFF  }
0xc5: {  	[dreg:$0x0] =	wrdreg $0xFFFFFFFF;
	(pc) =	sbr.abs _section_cstart, $3  }
0xc6: {  	[dreg:$0x1] =	wrdreg $0xFFFFFFFF  }
0xc7: {  	_ =	task.clear_ibuf [dreg:s7], $0x2FFFF;
	_ =	strace $0x9FFFFFFF  }
0xc8: {  	(tm) =	ssettm $0x7FFFFFFF  }
0xc9: {  	_ =	shalt  }
tec
execute0_lowered:
.L_overlay_start_1:
0x0: {  	(tag) =	ssettag $0x1  }
0x1: {  	s6 =	rddreg [dreg:$0x0]  }
0x2: {  	s1 =	rddreg [dreg:$0x1];
	s2 =	simm.s32 $0x0  }
0x3: {  	s5 =	srdreg.scid;
	s0 =	stileid.u32;
	s11 =	simm.s32 $0x4000  }
0x4: {  	s12 =	simm.s32 $0x1;
	s13 =	simm.s32 $0x5000;
	s14 =	simm.s32 $0x5080  }
0x5: {  	s15 =	simm.s32 $0x5100;
	s16 =	simm.s32 $0x5180;
	s17 =	simm.s32 $0x5600  }
0x6: {  	s18 =	simm.s32 $0x0;
	[smem:$0x7FF] =	sst s2;
	s4 =	sadd.s32 $0x1E00, s6  }
0x7: {  	s7 =	sand.u32 $0x1, s5;
	s26 =	sshll.u32 s0, $0x7;
	s8 =	sshll.u32 s0, $0x8  }
0x8: {  	_ =	strace $0x80000047;
	s9 =	sshll.u32 s7, $0x7;
	s10 =	sand.u32 $0x600, s26  }
.Ltmp0:
0x9: {  	s7 =	ssub.s32 $0x2, s7;
	s5 =	sor.u32 s9, s8;
	(pc) =	sbr.rel .LBB2_1-.Ltmp0, $4  }
0xa: {  	s28 =	sadd.s32 s10, s6;
	s29 =	sshrl.u32 s7, $0x1;
	s9 =	sshrl.u32 s5, $0x3  }
0xb: {  	s10 =	ssub.s32 s7, s29;
	s30 =	sadd.s32 $0x1000, s28;
	s9 =	sadd.s32 s9, s6  }
0xc: {  	[dreg:$0x3] =	wrdreg s30;
	s10 =	smax.u32 s10, $0x1;
	s31 =	sadd.s32 $0x1C00, s9  }
0xd: {  	v0 =	vimm.f32 $0.0e+00;
	v1 =	vimm.s32 $0x0;
	v2 =	vlaneseq.u32;
	s8 =	sadd.s32 $0x1A00, s9;
	s9 =	sadd.s32 $0x1800, s9;
	[dreg:$0x4] =	wrdreg s31  }
.LBB2_15:
0xe: {  	s18 =	sadd.s32 $0x1, s18  }
0xf: {  	p0 =	sne.s32 s18, s10  }
.Ltmp1:
0x10: {  	_ = 	snop;
	(pc) =	sbr.rel @!p0 .LBB2_16-.Ltmp1, $1  }
0x11: {  	_ =	sdelay $0x3  }
.LBB2_1:
0x12: {  	s0 =	rddreg [dreg:$0x3]  }
0x13: {  	[tilespmem:s11], [sflag:$0x1] =	stream.linear.gather [hbm4b:s0+s2], $0x1000, $0x38;
	[tilespmem:$0x7600] =	vst v63  }
0x14: {  	_ =	swait.ge [sflag:s12], $0x1000  }
0x15: {  	[sflag:s12] =	ssyncset.done $0x0  }
0x16: {  	s31 =	rddreg [dreg:$0x4];
	[sflag:s12] =	ssyncadd.s32 $0xFFFFF000  }
0x17: {  	[tilespmem:s13], [sflag:$0x1] =	stream.linear.gather [hbm4b:s31+s2], $0x80, $0x38;
	[tilespmem:$0x7600] =	vst v63  }
0x18: {  	_ =	swait.ge [sflag:s12], $0x80  }
0x19: {  	[sflag:s12] =	ssyncset.done $0x0  }
0x1a: {  	[sflag:s12] =	ssyncadd.s32 $0xFFFFFF80  }
0x1b: {  	[tilespmem:s14], [sflag:$0x1] =	stream.linear.gather [hbm4b:s8+s2], $0x80, $0x38;
	[tilespmem:$0x7600] =	vst v63  }
0x1c: {  	_ =	swait.ge [sflag:s12], $0x80  }
0x1d: {  	[sflag:s12] =	ssyncset.done $0x0  }
.Ltmp2:
0x1e: {  	[sflag:s12] =	ssyncadd.s32 $0xFFFFFF80;
	(pc) =	sbr.rel .LBB2_2-.Ltmp2, $4  }
0x1f: {  	[tilespmem:s15], [sflag:$0x1] =	stream.linear.gather [hbm4b:s9+s2], $0x80, $0x38;
	[tilespmem:$0x7600] =	vst v63  }
0x20: {  	_ =	swait.ge [sflag:s12], $0x80  }
0x21: {  	[sflag:s12] =	ssyncset.done $0x0  }
0x22: {  	s19 =	simm.s32 $0x0;
	[sflag:s12] =	ssyncadd.s32 $0xFFFFFF80  }
.LBB2_14:
0x23: {  	s19 =	sadd.s32 $0x1, s19  }
0x24: {  	s0 =	sshll.u32 s20, $0x6;
	p0 =	sne.s32 s19, $0x8  }
.Ltmp3:
0x25: {  	s0 =	sadd.s32 s1, s0;
	(pc) =	sbr.rel @!p0 .LBB2_15-.Ltmp3, $4  }
0x26: {  	[hbm4b:s0+s2] =	stream.linear.scatter [tilespmem:s17], [sflag:$0x1], $0x2000, $0x38;
	[tilespmem:$0x7600] =	vst v63  }
0x27: {  	_ =	swait.ge [sflag:s12], $0x2000  }
0x28: {  	[sflag:s12] =	ssyncset.done $0x0  }
0x29: {  	[sflag:s12] =	ssyncadd.s32 $0xFFFFE000  }
.LBB2_2:
0x2a: {  	s21 =	sshll.u32 s19, $0x4  }
0x2b: {  	s29 =	simm.s32 $0x0;
	s24 =	simm.s32 $0x0;
	s20 =	sor.u32 s5, s21  }
0x2c: {  	s31 =	simm.s32 $0x40;
	s26 =	simm.s32 $0x10;
	s22 =	sshll.u32 s20, $0x7  }
0x2d: {  	s24 =	sand.u32 $0x380, s24;
	s23 =	sadd.s32 s4, s22;
	s22 =	simm.s32 $0x0  }
0x2e: {  	[tilespmem:s22], [sflag:$0x1] =	stream.linear.gather [hbm4b:s23+s22], $0x4000, $0x38;
	[tilespmem:$0x7600] =	vst v63  }
0x2f: {  	s23 =	sand.u32 $0x1000, s29;
	s25 =	sand.u32 $0xC00, s22;
	s30 =	sand.u32 $0x40, s22  }
0x30: {  	_ =	swait.ge [sflag:s12], $0x4000;
	s23 =	sor.u32 s25, s23;
	s25 =	sand.u32 $0x1000, s31  }
0x31: {  	[sflag:s12] =	ssyncset.done $0x0;
	s23 =	sor.u32 s24, s23;
	s24 =	simm.s32 $0x200  }
0x32: {  	[sflag:s12] =	ssyncadd.s32 $0xFFFFC000;
	s23 =	sor.u32 s30, s23;
	s28 =	sand.u32 $0xC00, s24  }
0x33: {  	s26 =	sand.u32 $0x380, s26;
	s28 =	sor.u32 s28, s25;
	[tilespmem:s23+$0x5630] =	vst v0;
	s25 =	simm.s32 $0x40  }
0x34: {  	[tilespmem:s23+$0x5620] =	vst v0;
	s29 =	sand.u32 $0x40, s25;
	s28 =	sor.u32 s26, s28  }
0x35: {  	[tilespmem:s23+$0x5610] =	vst v0;
	s26 =	simm.s32 $0x4;
	s28 =	sor.u32 s29, s28  }
.LBB2_3:
0x36: {  	s26 =	sadd.s32 $0x4, s26  }
0x37: {  	s24 =	sadd.s32 $0x200, s24;
	[tilespmem:s23+$0x5600] =	vst v0;
	s23 =	smov.u32 s28;
	p0 =	slt.u32 s26, $0x1FC  }
.Ltmp4:
0x38: {  	s28 =	sshll.u32 s26, $0x4;
	s29 =	sshll.u32 s26, $0x2;
	(pc) =	sbr.rel @p0 .LBB2_3-.Ltmp4, $4  }
0x39: {  	s30 =	sand.u32 $0xC00, s24;
	s28 =	sand.u32 $0x1000, s28  }
0x3a: {  	s25 =	sadd.s32 $0x40, s25;
	s29 =	sand.u32 $0x380, s29;
	s28 =	sor.u32 s30, s28;
	[tilespmem:s23+$0x5630] =	vst v0  }
0x3b: {  	s30 =	sand.u32 $0x40, s25;
	s28 =	sor.u32 s29, s28;
	[tilespmem:s23+$0x5620] =	vst v0  }
0x3c: {  	s28 =	sor.u32 s30, s28;
	[tilespmem:s23+$0x5610] =	vst v0  }
.Ltmp5:
0x3d: {  	[tilespmem:s23+$0x5600] =	vst v0;
	(pc) =	sbr.rel .LBB2_5-.Ltmp5, $4  }
0x3e: {  	[tilespmem:s28+$0x5630] =	vst v0  }
0x3f: {  	[tilespmem:s28+$0x5620] =	vst v0  }
0x40: {  	[tilespmem:s28+$0x5610] =	vst v0  }
0x41: {  	[tilespmem:s28+$0x5600] =	vst v0  }
.LBB2_13:
0x42: {  	s22 =	sadd.s32 $0x1, s22  }
0x43: {  	p0 =	sne.s32 s22, $0x10  }
.Ltmp6:
0x44: {  	_ = 	snop;
	(pc) =	sbr.rel @!p0 .LBB2_14-.Ltmp6, $1  }
0x45: {  	_ =	sdelay $0x3  }
.LBB2_5:
0x46: {  	s23 =	sshll.u32 s22, $0x7  }
0x47: {  	s23 =	sand.u32 $0x380, s23  }
0x48: {  	v4 =	vmov s23  }
0x49: {  	s6 =	sshll.u32 s22, $0xA;
	s24 =	simm.s32 $0x0  }
0x4a: {  	s25 =	simm.s32 $0x0;
	s26 =	sand.u32 $0x1C00, s24;
	s23 =	sand.u32 $0x2000, s6  }
0x4b: {  	s29 =	sand.u32 $0x40, s25;
	s26 =	sadd.s32 s26, s23  }
0x4c: {  	s28 =	simm.s32 $0x10;
	s29 =	sadd.s32 s29, s26  }
0x4d: {  	s30 =	simm.s32 $0x20;
	s31 =	sand.u32 $0x50, s28;
	v3 =	vld.idx.msk [tilespmem:v4+s29+$0x0 ss:$0x1], $0xffff  }
0x4e: {  	s0 =	simm.s32 $0x30;
	s29 =	sadd.s32 s31, s26;
	s31 =	sand.u32 $0x60, s30  }
0x4f: {  	v6 =	vld.idx.msk [tilespmem:v4+s29+$0x0 ss:$0x1], $0xffff;
	s29 =	sadd.s32 s31, s26;
	s31 =	sand.u32 $0x70, s0  }
0x50: {  	v7 =	vld.idx.msk [tilespmem:v4+s29+$0x0 ss:$0x1], $0xffff;
	s26 =	sadd.s32 s31, s26  }
0x51: {  	v8 =	vld.idx.msk [tilespmem:v4+s26+$0x0 ss:$0x1], $0xffff  }
0x52: {  	vm1 =	vgt.f32 v3, $0.0e+00  }
0x53: {  	v5 =	vsel vm1, $0x1, v1  }
0x54: {  	vm0 =	vgt.f32 v6, $0.0e+00;
	(xrf0) =	vadd.scan.msk.s32 $0xffff, v5  }
0x55: {  	v9 =	vsel vm0, $0x1, v1;
	vm2 =	vgt.f32 v7, $0.0e+00  }
0x56: {  	v5 =	vsel vm2, $0x1, v1;
	vm3 =	vgt.f32 v8, $0.0e+00;
	(xrf0) =	vadd.scan.msk.s32 $0xffff, v9  }
0x57: {  	v9 =	vsel vm3, $0x1, v1;
	(xrf0) =	vadd.scan.msk.s32 $0xffff, v5  }
0x58: {  	(xrf0) =	vadd.scan.msk.s32 $0xffff, v9;
	_ =	sdelay $0x1  }
0x59: {  	s7 =	simm.s32 $0x200;
	v9, _, _ =	vpop (xrf0)  }
0x5a: {  	s29 =	simm.s32 $0x40;
	s26 =	sand.u32 $0x1C00, s7;
	(v2sf) =	vpush v9, $0xF  }
0x5b: {  	v12 =	vmov s24;
	s31 =	simm.s32 $0x50;
	s3 =	sand.u32 $0x40, s29;
	s26 =	sadd.s32 s26, s23;
	v5, _, _ =	vpop (xrf0)  }
0x5c: {  	s6 =	simm.s32 $0x60;
	v12 =	vadd.s32 $0xFFFFFFFF, v12;
	s7 =	sand.u32 $0x50, s31;
	s3 =	sadd.s32 s3, s26;
	(v2sf) =	vpush v5, $0xF;
	v18, _, _ =	vpop (xrf0)  }
0x5d: {  	v3 =	vand.u32 $0xFFFFFC00, v3;
	v6 =	vand.u32 $0xFFFFFC00, v6;
	v10 =	vld.idx.msk [tilespmem:v4+s3+$0x0 ss:$0x1], $0xffff;
	s3 =	sadd.s32 s7, s26;
	s7 =	sand.u32 $0x60, s6;
	(v2sf) =	vpush v18, $0xF;
	v20, _, _ =	vpop (xrf0)  }
0x5e: {  	v3 =	vor.u32 s25, v3;
	s25 =	simm.s32 $0x70;
	v7 =	vand.u32 $0xFFFFFC00, v7;
	v11 =	vld.idx.msk [tilespmem:v4+s3+$0x0 ss:$0x1], $0xffff;
	s3 =	sadd.s32 s7, s26;
	(v2sf) =	vpush v20, $0xF  }
0x5f: {  	v6 =	vor.u32 s28, v6;
	s7 =	sand.u32 $0x70, s25;
	v17 =	vor.u32 v2, v3;
	v8 =	vand.u32 $0xFFFFFC00, v8;
	v13 =	vld.idx.msk [tilespmem:v4+s3+$0x0 ss:$0x1], $0xffff  }
0x60: {  	v7 =	vor.u32 s30, v7;
	s26 =	sadd.s32 s7, s26;
	v3 =	vor.u32 v2, v6;
	v8 =	vor.u32 s0, v8  }
0x61: {  	v14 =	vld.idx.msk [tilespmem:v4+s26+$0x0 ss:$0x1], $0xffff;
	v6 =	vor.u32 v2, v7;
	v7 =	vor.u32 v2, v8;
	v8 =	vbroadcast v12, $0x0  }
0x62: {  	vm7 =	vmmov vm1;
	vm5 =	vgt.f32 v10, $0.0e+00  }
0x63: {  	vm1 =	vgt.f32 v11, $0.0e+00;
	v19 =	vadd.s32 v9, v8;
	v8 =	vsel vm5, $0x1, v1  }
0x64: {  	vm6 =	vmmov vm0;
	vm0 =	vgt.f32 v13, $0.0e+00;
	v9 =	vsel vm1, $0x1, v1;
	(xrf0) =	vadd.scan.msk.s32 $0xffff, v8  }
0x65: {  	v8 =	vand.u32 $0xFFFFFC00, v10;
	v10 =	vsel vm0, $0x1, v1;
	(xrf0) =	vadd.scan.msk.s32 $0xffff, v9  }
0x66: {  	vm8 =	vmmov vm2;
	vm4 =	vgt.f32 v14, $0.0e+00;
	(xrf0) =	vadd.scan.msk.s32 $0xffff, v10  }
0x67: {  	vm3 =	vmmov vm3;
	v9 =	vand.u32 $0xFFFFFC00, v11;
	v11 =	vsel vm4, $0x1, v1  }
0x68: {  	vm6 =	vmmov vm6;
	vm2 =	vmmov vm3;
	v12 =	vand.u32 $0xFFFFFC00, v14;
	(xrf0) =	vadd.scan.msk.s32 $0xffff, v11  }
0x69: {  	s24 =	simm.s32 $0x90;
	vm3 =	vmmov vm8;
	v12 =	vor.u32 s25, v12;
	v8 =	vor.u32 s29, v8;
	s7 =	spop (v2sf)  }
0x6a: {  	s26 =	simm.s32 $0x80;
	s29 =	simm.s32 $0x400;
	v10 =	vand.u32 $0xFFFFFC00, v13;
	v9 =	vor.u32 s31, v9;
	v11 =	vor.u32 v2, v8;
	v16, _, _ =	vpop (xrf0);
	s0 =	sadd.s32 $0x0, s7  }
0x6b: {  	s25 =	simm.s32 $0xA0;
	s3 =	sand.u32 $0x1C00, s29;
	v8 =	vor.u32 s6, v10;
	v15, _, _ =	vpop (xrf0);
	(v2sf) =	vpush v16, $0xF;
	s6 =	spop (v2sf);
	v13 =	vmov s0  }
0x6c: {  	v10 =	vor.u32 v2, v9;
	v9 =	vor.u32 v2, v12;
	s3 =	sadd.s32 s3, s23;
	v12, _, _ =	vpop (xrf0);
	(v2sf) =	vpush v15, $0xF;
	s0 =	sadd.s32 s0, s6;
	s6 =	spop (v2sf)  }
0x6d: {  	vm5 =	vmmov vm5;
	s7 =	sand.u32 $0x40, s26;
	(v2sf) =	vpush v12, $0xF;
	v14 =	vmov s0;
	s0 =	sadd.s32 s0, s6;
	s6 =	spop (v2sf)  }
0x6e: {  	s31 =	sand.u32 $0x50, s24;
	s7 =	sadd.s32 s7, s3;
	v22 =	vadd.s32 $0xFFFFFFFF, v13;
	v23 =	vadd.s32 $0xFFFFFFFF, v14;
	v14 =	vmov s0;
	s30 =	sadd.s32 s0, s6;
	v13, _, _ =	vpop (xrf0)  }
0x6f: {  	s28 =	simm.s32 $0xB0;
	v21 =	vld.idx.msk [tilespmem:v4+s7+$0x0 ss:$0x1], $0xffff;
	s7 =	sand.u32 $0x60, s25;
	s6 =	sadd.s32 s31, s3;
	v24 =	vmov s30;
	v25 =	vadd.s32 $0xFFFFFFFF, v14;
	(v2sf) =	vpush v13, $0xF  }
0x70: {  	v14 =	vld.idx.msk [tilespmem:v4+s6+$0x0 ss:$0x1], $0xffff;
	s6 =	sadd.s32 s7, s3;
	s7 =	sand.u32 $0x70, s28;
	v26 =	vbroadcast v23, $0x0;
	v24 =	vadd.s32 $0xFFFFFFFF, v24;
	v25 =	vbroadcast v25, $0x0  }
0x71: {  	vm4 =	vmmov vm4;
	[tilespmem:v19+s16+$0x0] =	vst.idx.msk vm7, v17;
	v22 =	vbroadcast v22, $0x0;
	v17 =	vld.idx.msk [tilespmem:v4+s6+$0x0 ss:$0x1], $0xffff;
	s7 =	sadd.s32 s7, s3;
	v23 =	vbroadcast v24, $0x0  }
0x72: {  	v8 =	vor.u32 v2, v8;
	s31 =	simm.s32 $0x8;
	v19 =	vld.idx.msk [tilespmem:v4+s7+$0x0 ss:$0x1], $0xffff;
	v18 =	vadd.s32 v18, v26;
	v20 =	vadd.s32 v20, v25  }
.LBB2_6:
0x73: {  	s31 =	sadd.s32 $0x4, s31;
	v23 =	vadd.s32 v16, v23;
	v22 =	vadd.s32 v5, v22;
	v5 =	vmovc v15;
	vm7 =	vmmov vm1  }
0x74: {  	vm8 =	vgt.f32 v21, $0.0e+00;
	v15 =	vand.u32 $0xFFFFFC00, v21;
	vm9 =	vmmov vm0;
	p0 =	slt.u32 s31, $0x3C  }
0x75: {  	v16 =	vsel vm8, $0x1, v1;
	vm1 =	vgt.f32 v14, $0.0e+00;
	v14 =	vand.u32 $0xFFFFFC00, v14  }
0x76: {  	v21 =	vsel vm1, $0x1, v1;
	vm0 =	vgt.f32 v17, $0.0e+00;
	v17 =	vand.u32 $0xFFFFFC00, v17;
	(xrf0) =	vadd.scan.msk.s32 $0xffff, v16  }
0x77: {  	v16 =	vsel vm0, $0x1, v1;
	vm10 =	vgt.f32 v19, $0.0e+00;
	v19 =	vand.u32 $0xFFFFFC00, v19;
	(xrf0) =	vadd.scan.msk.s32 $0xffff, v21  }
0x78: {  	s29 =	sadd.s32 $0x200, s29;
	v15 =	vor.u32 s26, v15;
	v14 =	vor.u32 s24, v14;
	v21 =	vsel vm10, $0x1, v1;
	(xrf0) =	vadd.scan.msk.s32 $0xffff, v16  }
0x79: {  	s0 =	sand.u32 $0x1C00, s29;
	v24 =	vor.u32 v2, v15;
	v15 =	vor.u32 s25, v17;
	v16 =	vor.u32 s28, v19;
	s28 =	sadd.s32 $0x40, s28;
	(xrf0) =	vadd.scan.msk.s32 $0xffff, v21  }
0x7a: {  	v17 =	vor.u32 v2, v14;
	v14 =	vor.u32 v2, v15;
	s26 =	sadd.s32 $0xFFFFFFD0, s28;
	s24 =	sadd.s32 $0xFFFFFFE0, s28;
	s25 =	sadd.s32 $0xFFFFFFF0, s28;
	v15 =	vor.u32 v2, v16  }
0x7b: {  	s0 =	sadd.s32 s0, s23;
	s3 =	sand.u32 $0x50, s24;
	s6 =	spop (v2sf);
	[tilespmem:v20+s16+$0x0] =	vst.idx.msk vm2, v7;
	v7 =	vmovc v9;
	v9 =	vmov v15;
	vm2 =	vmmov vm4;
	vm4 =	vmmov vm10  }
0x7c: {  	s7 =	sand.u32 $0x40, s26;
	v16, _, _ =	vpop (xrf0);
	s6 =	sadd.s32 s30, s6;
	s30 =	spop (v2sf);
	[tilespmem:v18+s16+$0x0] =	vst.idx.msk vm3, v6;
	v6 =	vmov v8;
	v8 =	vmov v14;
	vm3 =	vmmov vm9  }
0x7d: {  	s7 =	sadd.s32 s7, s0;
	(v2sf) =	vpush v16, $0xF;
	v15, _, _ =	vpop (xrf0);
	v14 =	vmov s6;
	s6 =	sadd.s32 s6, s30;
	s30 =	spop (v2sf);
	[tilespmem:v22+s16+$0x0] =	vst.idx.msk vm6, v3;
	v3 =	vmov v10  }
0x7e: {  	s3 =	sadd.s32 s3, s0;
	(v2sf) =	vpush v15, $0xF;
	v25, _, _ =	vpop (xrf0);
	[tilespmem:v23+s16+$0x0] =	vst.idx.msk vm5, v11;
	v18 =	vadd.s32 $0xFFFFFFFF, v14;
	v27 =	vmov s6;
	s6 =	sadd.s32 s6, s30;
	s30 =	spop (v2sf)  }
.Ltmp7:
0x7f: {  	v21 =	vld.idx.msk [tilespmem:v4+s7+$0x0 ss:$0x1], $0xffff;
	s7 =	sand.u32 $0x60, s25;
	(v2sf) =	vpush v25, $0xF;
	v26, _, _ =	vpop (xrf0);
	v19 =	vadd.s32 $0xFFFFFFFF, v27;
	v23 =	vmov s6;
	s30 =	sadd.s32 s6, s30;
	(pc) =	sbr.rel @p0 .LBB2_6-.Ltmp7, $4  }
0x80: {  	v10 =	vmovc v17;
	v11 =	vmovc v24;
	s6 =	sand.u32 $0x70, s28;
	v14 =	vld.idx.msk [tilespmem:v4+s3+$0x0 ss:$0x1], $0xffff;
	s3 =	sadd.s32 s7, s0;
	v20 =	vmov s30;
	(v2sf) =	vpush v26, $0xF;
	v22 =	vadd.s32 $0xFFFFFFFF, v23  }
0x81: {  	s0 =	sadd.s32 s6, s0;
	v24 =	vbroadcast v19, $0x0;
	v17 =	vld.idx.msk [tilespmem:v4+s3+$0x0 ss:$0x1], $0xffff;
	v20 =	vadd.s32 $0xFFFFFFFF, v20;
	v27 =	vbroadcast v22, $0x0  }
0x82: {  	vm5 =	vmmov vm8;
	v22 =	vbroadcast v18, $0x0;
	v19 =	vld.idx.msk [tilespmem:v4+s0+$0x0 ss:$0x1], $0xffff;
	v23 =	vbroadcast v20, $0x0  }
0x83: {  	vm6 =	vmmov vm7;
	v18 =	vadd.s32 v12, v24;
	v12 =	vmovc v25;
	v20 =	vadd.s32 v13, v27;
	v13 =	vmovc v26  }
0x84: {  	vm9 =	vgt.f32 v21, $0.0e+00  }
0x85: {  	v4 =	vsel vm9, $0x1, v1;
	vm8 =	vgt.f32 v14, $0.0e+00  }
0x86: {  	v24 =	vsel vm8, $0x1, v1;
	vm7 =	vgt.f32 v17, $0.0e+00;
	(xrf0) =	vadd.scan.msk.s32 $0xffff, v4  }
0x87: {  	v4 =	vsel vm7, $0x1, v1;
	(xrf0) =	vadd.scan.msk.s32 $0xffff, v24;
	vm10 =	vgt.f32 v19, $0.0e+00  }
0x88: {  	(xrf0) =	vadd.scan.msk.s32 $0xffff, v4;
	v4 =	vsel vm10, $0x1, v1  }
0x89: {  	(xrf0) =	vadd.scan.msk.s32 $0xffff, v4;
	_ =	sdelay $0x2  }
0x8a: {  	v4, _, _ =	vpop (xrf0)  }
0x8b: {  	(v2sf) =	vpush v4, $0xF;
	v24, _, _ =	vpop (xrf0)  }
0x8c: {  	(v2sf) =	vpush v24, $0xF;
	v25, _, _ =	vpop (xrf0)  }
0x8d: {  	(v2sf) =	vpush v25, $0xF;
	v26, _, _ =	vpop (xrf0)  }
0x8e: {  	(v2sf) =	vpush v26, $0xF;
	_ =	sdelay $0x7  }
0x8f: {  	s0 =	spop (v2sf)  }
0x90: {  	s3 =	spop (v2sf);
	s0 =	sadd.s32 s30, s0  }
0x91: {  	v16 =	vadd.s32 v16, v23;
	v5 =	vadd.s32 v5, v22;
	vm1 =	vmmov vm1;
	s6 =	spop (v2sf);
	s3 =	sadd.s32 s0, s3  }
0x92: {  	v56 =	vand.u32 $0xFFFFFC00, v21;
	vm0 =	vmmov vm0;
	vm11 =	vmmov vm4;
	s7 =	spop (v2sf);
	s6 =	sadd.s32 s3, s6  }
0x93: {  	vm4 =	vmmov vm0;
	vm1 =	vmmov vm1;
	v60 =	vor.u32 s26, v56;
	s7 =	sadd.s32 s6, s7;
	s23 =	spop (v2sf)  }
0x94: {  	v62 =	vand.u32 $0xFFFFFC00, v14;
	v55 =	vmov s0;
	v28 =	vmov s6;
	s0 =	sadd.s32 s7, s23;
	s29 =	spop (v2sf)  }
0x95: {  	v27 =	vmov s3;
	v29 =	vmov s7;
	v28 =	vadd.s32 $0xFFFFFFFF, v28;
	s3 =	sadd.s32 s0, s29;
	s30 =	spop (v2sf)  }
0x96: {  	vm8 =	vmmov vm8;
	v29 =	vadd.s32 $0xFFFFFFFF, v29;
	v28 =	vbroadcast v28, $0x0;
	s6 =	sadd.s32 s3, s30;
	s31 =	spop (v2sf)  }
0x97: {  	vm7 =	vmmov vm7;
	v27 =	vadd.s32 $0xFFFFFFFF, v27;
	v54 =	vbroadcast v29, $0x0;
	s23 =	sadd.s32 s6, s31  }
0x98: {  	[tilespmem:v20+s16+$0x0] =	vst.idx.msk vm2, v7;
	v22 =	vadd.s32 $0xFFFFFFFF, v55;
	v27 =	vbroadcast v27, $0x0;
	v13 =	vadd.s32 v13, v28;
	s7 =	sadd.s32 $0xF, s23  }
0x99: {  	[tilespmem:v18+s16+$0x0] =	vst.idx.msk vm3, v6;
	v22 =	vbroadcast v22, $0x0;
	v4 =	vadd.s32 v4, v54;
	v6 =	vmov s0;
	s29 =	sand.u32 $0xF, s7  }
0x9a: {  	[tilespmem:v5+s16+$0x0] =	vst.idx.msk vm6, v3;
	v12 =	vadd.s32 v12, v27;
	v7 =	vmov s3;
	v3 =	vadd.s32 $0xFFFFFFFF, v6;
	s30 =	sshra.s32 s7, $0x1F;
	p1 =	slt.s32 s7, $0x1;
	p0 =	sne.s32 s29, $0x0  }
0x9b: {  	v57 =	vmov s6;
	v7 =	vadd.s32 $0xFFFFFFFF, v7;
	v3 =	vbroadcast v3, $0x0;
	s3 =	sshrl.u32 s30, $0x1C;
	p0 =	por !p1, !p0  }
0x9c: {  	v15 =	vadd.s32 v15, v22;
	v58 =	vadd.s32 $0xFFFFFFFF, v57;
	v5 =	vbroadcast v7, $0x0;
	s0 =	sadd.s32 s3, s7;
	s3 =	simm.s32 $0x1;
	p0 =	por !p0, !p0  }
0x9d: {  	[tilespmem:v13+s16+$0x0] =	vst.idx.msk vm11, v9;
	v9 =	vor.u32 v2, v60;
	v59 =	vbroadcast v58, $0x0;
	v3 =	vadd.s32 v24, v3;
	s0 =	sshra.s32 s0, $0x4;
	s3 =	simm.s32 @!p0 $0x0  }
0x9e: {  	vm10 =	vmmov vm10;
	[tilespmem:v4+s16+$0x0] =	vst.idx.msk vm9, v9;
	v4 =	vor.u32 s24, v62;
	v5 =	vadd.s32 v25, v5;
	s24 =	ssub.s32 s0, s3  }
0x9f: {  	[tilespmem:v16+s16+$0x0] =	vst.idx.msk vm5, v11;
	s31 =	sor.u32 s21, s22;
	v6 =	vadd.s32 v26, v59;
	s0 =	sshrl.u32 s24, $0x1F  }
0xa0: {  	v61 =	vand.u32 $0xFFFFFC00, v17;
	[tilespmem:v12+s16+$0x0] =	vst.idx.msk vm4, v8;
	v8 =	vmov s31;
	s0 =	sadd.s32 s0, s24  }
0xa1: {  	v11 =	vor.u32 s25, v61;
	[tilespmem:v15+s16+$0x0] =	vst.idx.msk vm1, v10;
	v4 =	vor.u32 v2, v4;
	v7 =	vand.u32 $0xFFFFFC00, v19;
	s25 =	sand.u32 $0xFFFFFFFE, s0  }
0xa2: {  	v63 =	vor.u32 v2, v11;
	v7 =	vor.u32 s28, v7;
	[tilespmem:v3+s16+$0x0] =	vst.idx.msk vm8, v4;
	p0 =	slt.s32 s25, $0x1  }
.Ltmp8:
0xa3: {  	v7 =	vor.u32 v2, v7;
	[tilespmem:v5+s16+$0x0] =	vst.idx.msk vm7, v63;
	(pc) =	sbr.rel @p0 .LBB2_11-.Ltmp8, $4  }
0xa4: {  	[tilespmem:v6+s16+$0x0] =	vst.idx.msk vm10, v7  }
0xa5: {  	vm12 =	vmmov vm9;
	v5 =	vld.idx.msk [tilespmem:v8+s13+$0x0], $0xffff  }
0xa6: {  	vm15 =	vmmov vm8;
	vm14 =	vmmov vm7;
	v3 =	vmov s22;
	v6 =	vld.idx.msk [tilespmem:v8+s14+$0x0], $0xffff  }
0xa7: {  	vm13 =	vmmov vm10;
	v4 =	vshll.u32 v3, $0x9;
	v3 =	vshll.u32 v3, $0x7;
	v7 =	vld.idx.msk [tilespmem:v8+s15+$0x0], $0xffff  }
0xa8: {  	s28 =	simm.s32 $0x5190  }
0xa9: {  	v11 =	vld [tilespmem:s28+$0x0];
	_ =	sdelay $0x2  }
0xaa: {  	v13 =	vld [tilespmem:s28+$0xFFFFFFF0]  }
0xab: {  	v8 =	vand.u32 $0x1000, v4;
	v10 =	vand.u32 $0x380, v3;
	v9 =	vmov s23;
	s26 =	simm.s32 $0x10  }
0xac: {  	v8 =	vor.u32 v10, v8;
	v10 =	vor.u32 s26, v2;
	v12 =	vshll.u32 v11, $0x2  }
0xad: {  	s0 =	simm.s32 $0x0;
	vm1 =	vlt.s32 v10, v9;
	v10 =	vand.u32 $0x7F, v11;
	v12 =	vand.u32 $0xE00, v12  }
0xae: {  	v15 =	vor.u32 s0, v2;
	v10 =	vor.u32 v10, v12  }
0xaf: {  	vm12 =	vlt.s32 v15, v9;
	v12 =	vshll.u32 v13, $0x2;
	v16 =	vor.u32 $0x100, v10  }
0xb0: {  	v14 =	vand.u32 $0x7F, v13;
	v12 =	vand.u32 $0xE00, v12;
	v15 =	vor.u32 $0x80, v10  }
0xb1: {  	v12 =	vor.u32 v14, v12;
	_ =	sdelay $0x1  }
0xb2: {  	v14 =	vor.u32 $0x80, v12;
	v10 =	vld.idx.msk [tilespmem:v10+s11+$0x0], vm1  }
0xb3: {  	v16 =	vld.idx.msk [tilespmem:v16+s11+$0x0], vm1  }
0xb4: {  	v15 =	vld.idx.msk [tilespmem:v15+s11+$0x0], vm1  }
0xb5: {  	v17 =	vld.idx.msk [tilespmem:v12+s11+$0x0], vm12;
	_ =	sdelay $0x1  }
0xb6: {  	v14 =	vld.idx.msk [tilespmem:v14+s11+$0x0], vm12;
	v19 =	vsub.f32 v10, v5  }
0xb7: {  	v16 =	vsub.f32 v16, v7  }
0xb8: {  	v23 =	vand.u32 $0xFFFFFC00, v11;
	v20 =	vsub.f32 v15, v6;
	v15 =	vadd.f32 $1.600000000e+01, v19  }
0xb9: {  	v13 =	vand.u32 $0xFFFFFC00, v13;
	v10 =	vsub.f32 v17, v5;
	v17 =	vadd.f32 $1.600000000e+01, v16  }
0xba: {  	v21 =	vor.u32 $0x100, v12;
	v18 =	vadd.f32 $1.600000000e+01, v20;
	v15 =	vtrunc.f32 v15  }
0xbb: {  	v12 =	vsub.f32 v14, v6;
	v14 =	vcvt.f32.s32 v15;
	v15 =	vtrunc.f32 v17  }
0xbc: {  	v22 =	vadd.f32 $1.600000000e+01, v10;
	v17 =	vtrunc.f32 v18;
	v11 =	vcvt.f32.s32 v15  }
0xbd: {  	v30 =	vadd.f32 $1.600000000e+01, v12;
	v15 =	vcvt.f32.s32 v17;
	v17 =	vand.u32 $0xFFFFFFF8, v14  }
0xbe: {  	v18 =	vadd.s32 $0xFFFFFFF1, v14;
	v14 =	vadd.s32 $0xFFFFFFF0, v14;
	v24 =	vand.u32 $0xFFFFFFF8, v11  }
0xbf: {  	v25 =	vadd.s32 $0xFFFFFFF1, v11;
	vm2 =	veq.s32 v17, $0x10;
	vm3 =	vlt.u32 v18, $0x8  }
0xc0: {  	v17 =	vand.u32 $0xFFFFFFF8, v15;
	v11 =	vadd.s32 $0xFFFFFFF0, v11;
	v26 =	vcvt.s32.f32 v14  }
0xc1: {  	v18 =	vadd.s32 $0xFFFFFFF1, v15;
	v15 =	vadd.s32 $0xFFFFFFF0, v15;
	v14 =	vshll.u32 v14, $0x6  }
0xc2: {  	vm5 =	veq.s32 v24, $0x10;
	v24 =	vcvt.s32.f32 v11;
	vm4 =	veq.s32 v17, $0x10  }
0xc3: {  	vm9 =	vlt.u32 v25, $0x8;
	vm7 =	vlt.u32 v18, $0x8;
	vm2 =	vmand vm1, vm2  }
0xc4: {  	vm1 =	vmand vm1, vm3;
	v17 =	vcvt.s32.f32 v15;
	v15 =	vshll.u32 v15, $0x3  }
0xc5: {  	vm8 =	vmand vm2, vm4;
	vm11 =	vmand vm2, vm7;
	vm6 =	vmand vm1, vm4  }
0xc6: {  	vm10 =	vmand vm1, vm7;
	v14 =	vadd.s32 v14, v15;
	v19 =	vsub.f32 v19, v26  }
0xc7: {  	vm3 =	vmand vm8, vm5;
	vm2 =	vmand vm8, vm9;
	v11 =	vadd.s32 v11, v14  }
0xc8: {  	vm1 =	vmand vm11, vm5;
	vm8 =	vmand vm6, vm5;
	v17 =	vsub.f32 v20, v17  }
0xc9: {  	v16 =	vsub.f32 v16, v24;
	vm4 =	vgt.s32 v11, $0x0;
	v15 =	vadd.s32 $0x1, v11  }
0xca: {  	v18 =	vadd.s32 $0x8, v11;
	v25 =	vadd.s32 $0x9, v11;
	v29 =	vadd.s32 $0x41, v11  }
0xcb: {  	v31 =	vadd.s32 $0x48, v11;
	v32 =	vadd.s32 $0x49, v11;
	v24 =	vmul.f32 v23, v19  }
0xcc: {  	v14 =	vld.idx.msk [tilespmem:v21+s11+$0x0], vm12;
	v19 =	vsub.f32 $1.000000000e+00, v19;
	v21 =	vnsel vm4, $0x0, v11;
	vm4 =	vgt.s32 v15, $0x0  }
0xcd: {  	vm7 =	vgt.s32 v18, $0x0;
	v55 =	vsub.f32 $1.000000000e+00, v17;
	v42 =	vsub.f32 $1.000000000e+00, v16  }
0xce: {  	v27 =	vnsel vm4, $0x0, v15;
	vm4 =	vmand vm11, vm9;
	v28 =	vnsel vm7, $0x0, v18  }
0xcf: {  	vm11 =	vgt.s32 v25, $0x0;
	v18 =	vadd.s32 $0x40, v11;
	v11 =	vtrunc.f32 v22  }
0xd0: {  	vm7 =	vmand vm6, vm9;
	vm6 =	vmand vm10, vm5;
	vm5 =	vmand vm10, vm9  }
0xd1: {  	v43 =	vmul.f32 v17, v24;
	v21 =	vmin.u32 v21, $0x1FF;
	v19 =	vmul.f32 v23, v19  }
0xd2: {  	v25 =	vnsel vm11, $0x0, v25;
	vm11 =	vgt.s32 v18, $0x0;
	v23 =	vand.u32 $0x7F, v21  }
0xd3: {  	v21 =	vshll.u32 v21, $0x3;
	v24 =	vmul.f32 v55, v24;
	v27 =	vmin.u32 v27, $0x1FF  }
0xd4: {  	v28 =	vmin.u32 v28, $0x1FF;
	v15 =	vsub.f32 v14, v7;
	v33 =	vnsel vm11, $0x0, v18  }
0xd5: {  	v18 =	vtrunc.f32 v30;
	vm11 =	vgt.s32 v29, $0x0;
	v14 =	vcvt.f32.s32 v11  }
0xd6: {  	v25 =	vmin.u32 v25, $0x1FF;
	v17 =	vmul.f32 v19, v17;
	v21 =	vand.u32 $0xC00, v21  }
0xd7: {  	v56 =	vand.u32 $0x7F, v27;
	v44 =	vand.u32 $0x7F, v28;
	v27 =	vshll.u32 v27, $0x3  }
0xd8: {  	v28 =	vshll.u32 v28, $0x3;
	v18 =	vcvt.f32.s32 v18;
	v29 =	vnsel vm11, $0x0, v29  }
0xd9: {  	vm11 =	vgt.s32 v31, $0x0;
	v33 =	vmin.u32 v33, $0x1FF;
	v45 =	vand.u32 $0x7F, v25  }
0xda: {  	v25 =	vshll.u32 v25, $0x3;
	v21 =	vor.u32 v21, v23;
	v23 =	vand.u32 $0xC00, v27  }
0xdb: {  	v27 =	vand.u32 $0xC00, v28;
	v22 =	vadd.f32 $1.600000000e+01, v15;
	v31 =	vnsel vm11, $0x0, v31  }
0xdc: {  	vm11 =	vgt.s32 v32, $0x0;
	v29 =	vmin.u32 v29, $0x1FF;
	v46 =	vand.u32 $0x7F, v33  }
0xdd: {  	v33 =	vshll.u32 v33, $0x3;
	v25 =	vand.u32 $0xC00, v25;
	v21 =	vor.u32 v8, v21  }
0xde: {  	v23 =	vor.u32 v23, v56;
	v27 =	vor.u32 v27, v44;
	v44 =	vmul.f32 v17, v16  }
0xdf: {  	v30 =	vadd.s32 $0xFFFFFFF0, v18;
	v32 =	vnsel vm11, $0x0, v32;
	v31 =	vmin.u32 v31, $0x1FF  }
0xe0: {  	v47 =	vand.u32 $0x7F, v29;
	v29 =	vshll.u32 v29, $0x3;
	v28 =	vand.u32 $0xC00, v33  }
0xe1: {  	v23 =	vor.u32 v8, v23;
	v27 =	vor.u32 v8, v27;
	v25 =	vor.u32 v25, v45  }
0xe2: {  	v11 =	vtrunc.f32 v22;
	v22 =	vadd.s32 $0xFFFFFFF0, v14;
	v35 =	vshll.u32 v30, $0x3  }
0xe3: {  	v48 =	vand.u32 $0x7F, v31;
	v31 =	vshll.u32 v31, $0x3;
	v29 =	vand.u32 $0xC00, v29  }
0xe4: {  	v28 =	vor.u32 v28, v46;
	v25 =	vor.u32 v8, v25;
	v11 =	vcvt.f32.s32 v11  }
0xe5: {  	v34 =	vshll.u32 v22, $0x6;
	v31 =	vand.u32 $0xC00, v31;
	v22 =	vcvt.s32.f32 v22  }
0xe6: {  	v28 =	vor.u32 v8, v28;
	v34 =	vadd.s32 v34, v35;
	v36 =	vadd.s32 $0xFFFFFFF0, v11  }
0xe7: {  	v10 =	vsub.f32 v10, v22;
	v22 =	vmul.f32 v42, v24;
	v34 =	vadd.s32 v36, v34  }
0xe8: {  	v24 =	vmul.f32 v24, v16;
	v52 =	vadd.s32 $0x1, v34;
	v37 =	vadd.s32 $0x8, v34  }
0xe9: {  	v38 =	vadd.s32 $0x9, v34;
	v39 =	vadd.s32 $0x40, v34;
	vm9 =	vgt.s32 v52, $0x0  }
0xea: {  	v40 =	vadd.s32 $0x41, v34;
	v35 =	vnsel vm9, $0x0, v52;
	vm9 =	vgt.s32 v37, $0x0  }
0xeb: {  	v53 =	vadd.s32 $0x48, v34;
	v37 =	vnsel vm9, $0x0, v37;
	vm9 =	vgt.s32 v38, $0x0  }
0xec: {  	v41 =	vadd.s32 $0x49, v34;
	v35 =	vmin.u32 v35, $0x1FF;
	v38 =	vnsel vm9, $0x0, v38  }
0xed: {  	vm9 =	vgt.s32 v39, $0x0;
	v37 =	vmin.u32 v37, $0x1FF;
	v61 =	vshll.u32 v35, $0x3  }
0xee: {  	v26 =	vnsel vm9, $0x0, v39;
	vm9 =	vgt.s32 v40, $0x0;
	v38 =	vmin.u32 v38, $0x1FF  }
0xef: {  	v62 =	vshll.u32 v37, $0x3;
	v40 =	vnsel vm9, $0x0, v40;
	vm9 =	vgt.s32 v34, $0x0  }
0xf0: {  	v59 =	vmin.u32 v26, $0x1FF;
	v63 =	vshll.u32 v38, $0x3;
	v26 =	vand.u32 $0xFFFFFFF8, v18  }
0xf1: {  	v34 =	vnsel vm9, $0x0, v34;
	vm9 =	vgt.s32 v53, $0x0;
	v40 =	vmin.u32 v40, $0x1FF  }
0xf2: {  	v50 =	vshll.u32 v59, $0x3;
	v20 =	vnsel vm9, $0x0, v53;
	vm9 =	vgt.s32 v41, $0x0  }
0xf3: {  	v51 =	vshll.u32 v40, $0x3;
	v54 =	vnsel vm9, $0x0, v41;
	v41 =	vmul.f32 v55, v19  }
0xf4: {  	v19 =	vmin.u32 v32, $0x1FF;
	v60 =	vmin.u32 v20, $0x1FF;
	v20 =	vadd.s32 $0xFFFFFFF1, v14  }
0xf5: {  	v49 =	vand.u32 $0x7F, v19;
	v19 =	vshll.u32 v19, $0x3;
	v39 =	vmin.u32 v54, $0x1FF  }
0xf6: {  	v53 =	vshll.u32 v60, $0x3;
	v32 =	vmul.f32 v42, v41;
	v33 =	vmul.f32 v41, v16  }
0xf7: {  	v41 =	vmul.f32 v42, v17;
	v17 =	vor.u32 v29, v47;
	v29 =	vor.u32 v31, v48  }
0xf8: {  	v54 =	vshll.u32 v39, $0x3;
	v31 =	vor.u32 v8, v17;
	v17 =	vand.u32 $0xC00, v19  }
0xf9: {  	v29 =	vor.u32 v8, v29;
	v19 =	vcvt.s32.f32 v30;
	v30 =	vmul.f32 v42, v43  }
0xfa: {  	v42 =	vmul.f32 v16, v43;
	v16 =	vand.u32 $0xFFFFFFF8, v14;
	v17 =	vor.u32 v17, v49  }
0xfb: {  	[tilespmem:v21+s17+$0x0] =	vst.idx.add.f32.msk vm3, v32;
	vm3 =	veq.s32 v16, $0x10;
	v21 =	vand.u32 $0xC00, v62;
	v32 =	vand.u32 $0x7F, v60  }
0xfc: {  	v45 =	vor.u32 v8, v17;
	v19 =	vsub.f32 v12, v19;
	v12 =	vsub.f32 $1.000000000e+00, v10  }
0xfd: {  	v17 =	vcvt.s32.f32 v36;
	[tilespmem:v23+s17+$0x0] =	vst.idx.add.f32.msk vm2, v33;
	v23 =	vand.u32 $0xC00, v51;
	v33 =	vand.u32 $0x7F, v37  }
0xfe: {  	[tilespmem:v27+s17+$0x0] =	vst.idx.add.f32.msk vm1, v41;
	vm1 =	vlt.u32 v20, $0x8;
	v27 =	vadd.s32 $0xFFFFFFF1, v18;
	v20 =	vand.u32 $0xC00, v61  }
0xff: {  	v18 =	vand.u32 $0xC00, v53;
	v57 =	vsub.f32 $1.000000000e+00, v19;
	v58 =	vmul.f32 v13, v12  }
0x100: {  	p0 =	sgt.s32 s25, $0x2;
	v13 =	vmul.f32 v13, v10;
	v12 =	vsub.f32 v15, v17;
	v10 =	vmin.u32 v34, $0x1FF;
	[tilespmem:v25+s17+$0x0] =	vst.idx.add.f32.msk vm4, v44  }
.Ltmp9:
0x101: {  	v34 =	vand.u32 $0x7F, v40;
	v52 =	vshll.u32 v10, $0x3;
	[tilespmem:v28+s17+$0x0] =	vst.idx.add.f32.msk vm8, v22;
	v22 =	vand.u32 $0xC00, v50;
	(pc) =	sbr.rel @!p0 .LBB2_10-.Ltmp9, $4  }
0x102: {  	v28 =	vand.u32 $0x7F, v35;
	v17 =	vmul.f32 v57, v58;
	v16 =	vmul.f32 v58, v19  }
0x103: {  	v15 =	vmul.f32 v57, v13;
	v14 =	vmul.f32 v19, v13;
	v13 =	vsub.f32 $1.000000000e+00, v12;
	[tilespmem:v31+s17+$0x0] =	vst.idx.add.f32.msk vm7, v24  }
0x104: {  	v19 =	vand.u32 $0xC00, v63;
	v25 =	vand.u32 $0xC00, v52;
	v24 =	vand.u32 $0xC00, v54;
	[tilespmem:v29+s17+$0x0] =	vst.idx.add.f32.msk vm6, v30  }
0x105: {  	s29 =	simm.s32 $0x51B0;
	s28 =	simm.s32 $0x2;
	v31 =	vand.u32 $0x7F, v59;
	v30 =	vand.u32 $0x7F, v38;
	v29 =	vand.u32 $0x7F, v39;
	[tilespmem:v45+s17+$0x0] =	vst.idx.add.f32.msk vm5, v42  }
.LBB2_9:
0x106: {  	vm4 =	veq.s32 v26, $0x10  }
0x107: {  	vm2 =	vlt.u32 v27, $0x8;
	v10 =	vand.u32 $0x7F, v10;
	v27 =	vand.u32 $0xFFFFFFF8, v11  }
0x108: {  	vm3 =	vmand vm12, vm3;
	vm1 =	vmand vm12, vm1;
	v11 =	vadd.s32 $0xFFFFFFF1, v11  }
0x109: {  	v35 =	vld [tilespmem:s29+$0x0];
	v20 =	vor.u32 v20, v28;
	v21 =	vor.u32 v21, v33;
	v19 =	vor.u32 v19, v30  }
0x10a: {  	v26 =	vld [tilespmem:s29+$0xFFFFFFF0];
	v22 =	vor.u32 v22, v31;
	v23 =	vor.u32 v23, v34;
	v18 =	vor.u32 v18, v32;
	s26 =	sadd.s32 $0x20, s26  }
0x10b: {  	v24 =	vor.u32 v24, v29;
	v25 =	vor.u32 v25, v10;
	v10 =	vor.u32 s26, v2  }
0x10c: {  	v29 =	vmul.f32 v13, v17;
	vm6 =	vmand vm3, vm4;
	v41 =	vmul.f32 v17, v12  }
0x10d: {  	v36 =	vmul.f32 v13, v16;
	vm7 =	vmand vm3, vm2;
	v37 =	vmul.f32 v13, v15  }
0x10e: {  	vm4 =	vmand vm1, vm4;
	vm5 =	vlt.s32 v10, v9;
	v28 =	vshll.u32 v35, $0x2  }
0x10f: {  	v10 =	vand.u32 $0x7F, v35;
	v31 =	vshll.u32 v26, $0x2;
	v28 =	vand.u32 $0xE00, v28  }
0x110: {  	s0 =	sadd.s32 $0xFFFFFFF0, s26;
	v30 =	vand.u32 $0x7F, v26;
	v31 =	vand.u32 $0xE00, v31;
	v28 =	vor.u32 v10, v28  }
0x111: {  	v10 =	vor.u32 s0, v2;
	v30 =	vor.u32 v30, v31;
	v63 =	vor.u32 $0x100, v28  }
0x112: {  	vm0 =	vlt.s32 v10, v9;
	v10 =	vimm.s32 $0x0;
	v31 =	vor.u32 $0x80, v28  }
0x113: {  	v42 =	vmul.f32 v15, v12;
	v13 =	vmul.f32 v13, v14;
	v10 =	vsel vm0, $0xFFFFFFFF, v10  }
0x114: {  	vm12 =	veq.s32 v27, $0x10;
	[tilespmem:$0x1FFD0] =	vst v10;
	v10 =	vand.u32 $0xFFFFFC00, v26;
	v26 =	vor.u32 $0x80, v30  }
0x115: {  	vm1 =	vmand vm1, vm2;
	v15 =	vimm.s32 $0x0;
	v20 =	vor.u32 v8, v20;
	v17 =	vld.idx.msk [tilespmem:v28+s11+$0x0], vm5  }
0x116: {  	v21 =	vor.u32 v8, v21;
	v19 =	vor.u32 v8, v19;
	v28 =	vmul.f32 v16, v12;
	v16 =	vld.idx.msk [tilespmem:v63+s11+$0x0], vm5  }
0x117: {  	v22 =	vor.u32 v8, v22;
	v23 =	vor.u32 v8, v23;
	v15 =	vsel vm1, $0xFFFFFFFF, v15;
	v31 =	vld.idx.msk [tilespmem:v31+s11+$0x0], vm5  }
0x118: {  	vm1 =	vlt.u32 v11, $0x8;
	v25 =	vor.u32 v8, v25;
	vm8 =	vmand vm6, vm12;
	v27 =	vld.idx.msk [tilespmem:v30+s11+$0x0], vm0  }
0x119: {  	vm10 =	vmand vm7, vm12;
	[tilespmem:$0x1FFC0] =	vst v15;
	v15 =	vor.u32 v8, v18;
	vm9 =	vmand vm6, vm1;
	v26 =	vld.idx.msk [tilespmem:v26+s11+$0x0], vm0  }
0x11a: {  	v12 =	vmul.f32 v12, v14;
	v14 =	vor.u32 v8, v24;
	v24 =	vsub.f32 v17, v5  }
0x11b: {  	vm7 =	vmand vm7, vm1;
	v40 =	vor.u32 $0x100, v30;
	v30 =	vsub.f32 v16, v7  }
0x11c: {  	v17 =	vimm.s32 $0x0;
	v31 =	vsub.f32 v31, v6;
	v18 =	vadd.f32 $1.600000000e+01, v24  }
0x11d: {  	v17 =	vsel vm1, $0xFFFFFFFF, v17;
	v16 =	vsub.f32 v27, v5;
	v27 =	vadd.f32 $1.600000000e+01, v30  }
0x11e: {  	[tilespmem:$0x1FFF0] =	vst v17;
	v17 =	vsub.f32 v26, v6;
	v43 =	vadd.f32 $1.600000000e+01, v31;
	v26 =	vtrunc.f32 v18  }
0x11f: {  	vm6 =	vmand vm4, vm12;
	v26 =	vcvt.f32.s32 v26;
	v27 =	vtrunc.f32 v27  }
0x120: {  	vm4 =	vmand vm4, vm1;
	v11 =	vld.idx.msk [tilespmem:v40+s11+$0x0], vm0;
	v33 =	vtrunc.f32 v43;
	v27 =	vcvt.f32.s32 v27  }
0x121: {  	v35 =	vand.u32 $0xFFFFFC00, v35;
	[tilespmem:v25+s17+$0x0] =	vst.idx.add.f32.msk vm8, v29;
	v25 =	vcvt.f32.s32 v33;
	v29 =	vand.u32 $0xFFFFFFF8, v26  }
0x122: {  	[tilespmem:v20+s17+$0x0] =	vst.idx.add.f32.msk vm9, v41;
	v44 =	vadd.s32 $0xFFFFFFF1, v26;
	v20 =	vadd.s32 $0xFFFFFFF0, v26;
	v26 =	vand.u32 $0xFFFFFFF8, v27  }
0x123: {  	[tilespmem:v21+s17+$0x0] =	vst.idx.add.f32.msk vm10, v36;
	v45 =	vadd.s32 $0xFFFFFFF1, v27;
	vm8 =	veq.s32 v29, $0x10;
	vm9 =	vlt.u32 v44, $0x8  }
0x124: {  	[tilespmem:v19+s17+$0x0] =	vst.idx.add.f32.msk vm7, v28;
	v21 =	vand.u32 $0xFFFFFFF8, v25;
	v27 =	vadd.s32 $0xFFFFFFF0, v27;
	v19 =	vcvt.s32.f32 v20  }
0x125: {  	[tilespmem:v22+s17+$0x0] =	vst.idx.add.f32.msk vm6, v37;
	v28 =	vadd.s32 $0xFFFFFFF1, v25;
	v22 =	vadd.s32 $0xFFFFFFF0, v25;
	v20 =	vshll.u32 v20, $0x6  }
0x126: {  	[tilespmem:v23+s17+$0x0] =	vst.idx.add.f32.msk vm4, v42;
	vm6 =	veq.s32 v26, $0x10;
	v23 =	vcvt.s32.f32 v27;
	vm7 =	veq.s32 v21, $0x10  }
0x127: {  	vm4 =	vlt.u32 v45, $0x8;
	vm10 =	vlt.u32 v28, $0x8;
	vm8 =	vmand vm5, vm8  }
0x128: {  	vm5 =	vmand vm5, vm9;
	v21 =	vcvt.s32.f32 v22;
	v22 =	vshll.u32 v22, $0x3  }
0x129: {  	vm11 =	vmand vm8, vm7;
	vm8 =	vmand vm8, vm10;
	vm13 =	vmand vm5, vm7  }
0x12a: {  	vm9 =	vmand vm5, vm10;
	v24 =	vsub.f32 v24, v19;
	v20 =	vadd.s32 v20, v22  }
0x12b: {  	v22 =	vimm.s32 $0x0;
	v19 =	vsub.f32 v30, v23;
	vm5 =	vmand vm11, vm6  }
0x12c: {  	vm11 =	vmand vm11, vm4;
	vm10 =	vmand vm8, vm6;
	vm8 =	vmand vm8, vm4  }
0x12d: {  	vm7 =	vmand vm13, vm6;
	vm0 =	vmand vm13, vm4;
	v21 =	vsub.f32 v31, v21  }
0x12e: {  	v20 =	vadd.s32 v27, v20;
	v22 =	vsel vm0, $0xFFFFFFFF, v22;
	v23 =	vmul.f32 v35, v24  }
0x12f: {  	vm13 =	vgt.s32 v20, $0x0;
	v25 =	vadd.s32 $0x8, v20;
	v26 =	vadd.s32 $0x9, v20  }
0x130: {  	v27 =	vadd.s32 $0x40, v20;
	v28 =	vadd.s32 $0x41, v20;
	v29 =	vadd.s32 $0x48, v20  }
0x131: {  	v46 =	vadd.s32 $0x49, v20;
	[tilespmem:$0x1FFE0] =	vst v22;
	v22 =	vsub.f32 $1.000000000e+00, v24;
	v24 =	vadd.s32 $0x1, v20  }
0x132: {  	v30 =	vsub.f32 $1.000000000e+00, v21;
	v31 =	vsub.f32 $1.000000000e+00, v19;
	v20 =	vnsel vm13, $0x0, v20  }
0x133: {  	vm14 =	vgt.s32 v25, $0x0;
	vm15 =	vgt.s32 v26, $0x0;
	vm2 =	vgt.s32 v27, $0x0  }
0x134: {  	vm13 =	vgt.s32 v24, $0x0;
	v47 =	vmul.f32 v21, v23;
	v20 =	vmin.u32 v20, $0x1FF  }
0x135: {  	v25 =	vnsel vm14, $0x0, v25;
	v26 =	vnsel vm15, $0x0, v26;
	v27 =	vnsel vm2, $0x0, v27  }
0x136: {  	v22 =	vmul.f32 v35, v22;
	v24 =	vnsel vm13, $0x0, v24;
	v48 =	vand.u32 $0x7F, v20  }
0x137: {  	v20 =	vshll.u32 v20, $0x3;
	v23 =	vmul.f32 v30, v23;
	v25 =	vmin.u32 v25, $0x1FF  }
0x138: {  	v26 =	vmin.u32 v26, $0x1FF;
	v27 =	vmin.u32 v27, $0x1FF;
	v24 =	vmin.u32 v24, $0x1FF  }
0x139: {  	v20 =	vand.u32 $0xC00, v20;
	v50 =	vand.u32 $0x7F, v25;
	v51 =	vand.u32 $0x7F, v26  }
0x13a: {  	v52 =	vand.u32 $0x7F, v27;
	v25 =	vshll.u32 v25, $0x3;
	v26 =	vshll.u32 v26, $0x3  }
0x13b: {  	v27 =	vshll.u32 v27, $0x3;
	v49 =	vand.u32 $0x7F, v24;
	v24 =	vshll.u32 v24, $0x3  }
0x13c: {  	v30 =	vmul.f32 v30, v22;
	v20 =	vor.u32 v20, v48;
	v24 =	vand.u32 $0xC00, v24  }
0x13d: {  	v25 =	vand.u32 $0xC00, v25;
	v20 =	vor.u32 v8, v20;
	v24 =	vor.u32 v24, v49  }
0x13e: {  	v26 =	vand.u32 $0xC00, v26;
	v25 =	vor.u32 v25, v50;
	v24 =	vor.u32 v8, v24  }
0x13f: {  	v21 =	vmul.f32 v22, v21;
	v26 =	vor.u32 v26, v51;
	v25 =	vor.u32 v8, v25  }
0x140: {  	v27 =	vand.u32 $0xC00, v27;
	v53 =	vmul.f32 v31, v30;
	v26 =	vor.u32 v8, v26  }
0x141: {  	v27 =	vor.u32 v27, v52;
	v30 =	vmul.f32 v30, v19  }
0x142: {  	v54 =	vmul.f32 v31, v21;
	v27 =	vor.u32 v8, v27;
	[tilespmem:v20+s17+$0x0] =	vst.idx.add.f32.msk vm5, v53  }
0x143: {  	v21 =	vmul.f32 v21, v19;
	[tilespmem:v24+s17+$0x0] =	vst.idx.add.f32.msk vm11, v30  }
0x144: {  	[tilespmem:v25+s17+$0x0] =	vst.idx.add.f32.msk vm10, v54  }
0x145: {  	v18 =	vadd.f32 $1.600000000e+01, v16;
	vm6 =	vmand vm9, vm6;
	v25 =	vmul.f32 v31, v23;
	[tilespmem:v26+s17+$0x0] =	vst.idx.add.f32.msk vm8, v21  }
0x146: {  	vm3 =	vgt.s32 v28, $0x0;
	vm0 =	vgt.s32 v29, $0x0;
	vm1 =	vgt.s32 v46, $0x0;
	v26 =	vld [tilespmem:$0x1FFE0]  }
0x147: {  	v28 =	vnsel vm3, $0x0, v28;
	v29 =	vnsel vm0, $0x0, v29;
	v32 =	vnsel vm1, $0x0, v46;
	[tilespmem:v27+s17+$0x0] =	vst.idx.add.f32.msk vm7, v25  }
0x148: {  	vm0 =	vmand vm9, vm4;
	v28 =	vmin.u32 v28, $0x1FF;
	v29 =	vmin.u32 v29, $0x1FF;
	v25 =	vld [tilespmem:$0x1FFC0]  }
0x149: {  	v38 =	vand.u32 $0x7F, v28;
	v28 =	vshll.u32 v28, $0x3;
	v22 =	vmin.u32 v32, $0x1FF  }
0x14a: {  	v39 =	vand.u32 $0x7F, v29;
	v28 =	vand.u32 $0xC00, v28;
	v40 =	vand.u32 $0x7F, v22  }
0x14b: {  	v22 =	vshll.u32 v22, $0x3;
	v28 =	vor.u32 v28, v38;
	vm3 =	vnez.u8 v26  }
0x14c: {  	v29 =	vshll.u32 v29, $0x3;
	v22 =	vand.u32 $0xC00, v22;
	v20 =	vor.u32 v8, v28  }
0x14d: {  	v29 =	vand.u32 $0xC00, v29;
	v22 =	vor.u32 v22, v40;
	vm2 =	vnez.u8 v25;
	v25 =	vld [tilespmem:$0x1FFD0]  }
0x14e: {  	v28 =	vor.u32 v29, v39;
	v29 =	vsub.f32 v11, v7;
	v11 =	vtrunc.f32 v18  }
0x14f: {  	v18 =	vmul.f32 v23, v19;
	v24 =	vor.u32 v8, v28;
	v28 =	vadd.f32 $1.600000000e+01, v17  }
0x150: {  	v22 =	vor.u32 v8, v22  }
0x151: {  	v23 =	vmul.f32 v31, v47;
	v21 =	vtrunc.f32 v28;
	[tilespmem:v20+s17+$0x0] =	vst.idx.add.f32.msk vm3, v18  }
0x152: {  	vm1 =	vmand vm2, vm12;
	vm12 =	vnez.u8 v25;
	v25 =	vcvt.f32.s32 v11;
	v20 =	vld [tilespmem:$0x1FFF0]  }
0x153: {  	v11 =	vadd.f32 $1.600000000e+01, v29;
	v18 =	vmul.f32 v19, v47;
	v19 =	vcvt.f32.s32 v21  }
0x154: {  	[tilespmem:v24+s17+$0x0] =	vst.idx.add.f32.msk vm6, v23  }
0x155: {  	v11 =	vtrunc.f32 v11;
	[tilespmem:v22+s17+$0x0] =	vst.idx.add.f32.msk vm0, v18;
	v18 =	vadd.s32 $0xFFFFFFF0, v19  }
0x156: {  	v21 =	vand.u32 $0xFFFFFFF8, v25;
	v11 =	vcvt.f32.s32 v11;
	v23 =	vcvt.s32.f32 v18  }
0x157: {  	v18 =	vshll.u32 v18, $0x3;
	vm3 =	vnez.u8 v20;
	v20 =	vadd.s32 $0xFFFFFFF0, v25  }
0x158: {  	v24 =	vadd.s32 $0xFFFFFFF0, v11;
	v22 =	vcvt.s32.f32 v20;
	v20 =	vshll.u32 v20, $0x6  }
0x159: {  	[tilespmem:v15+s17+$0x0] =	vst.idx.add.f32.msk vm1, v13;
	vm2 =	vmand vm2, vm3;
	v13 =	vcvt.s32.f32 v24;
	v18 =	vadd.s32 v20, v18  }
0x15a: {  	v20 =	vsub.f32 v17, v23;
	v16 =	vsub.f32 v16, v22;
	v15 =	vadd.s32 v24, v18  }
0x15b: {  	v17 =	vadd.s32 $0x1, v15;
	v18 =	vadd.s32 $0x8, v15;
	v22 =	vadd.s32 $0x9, v15  }
0x15c: {  	v23 =	vadd.s32 $0x48, v15;
	v26 =	vadd.s32 $0x49, v15;
	vm11 =	vgt.s32 v15, $0x0  }
0x15d: {  	v28 =	vsub.f32 $1.000000000e+00, v20;
	v24 =	vsub.f32 $1.000000000e+00, v16;
	vm0 =	vgt.s32 v17, $0x0  }
0x15e: {  	vm1 =	vgt.s32 v18, $0x0;
	vm5 =	vgt.s32 v23, $0x0;
	vm10 =	vgt.s32 v26, $0x0  }
0x15f: {  	v30 =	vmul.f32 v10, v16;
	v17 =	vnsel vm0, $0x0, v17;
	v18 =	vnsel vm1, $0x0, v18  }
0x160: {  	v23 =	vnsel vm5, $0x0, v23;
	v26 =	vnsel vm10, $0x0, v26;
	[tilespmem:v14+s17+$0x0] =	vst.idx.add.f32.msk vm2, v12;
	v12 =	vadd.s32 $0x40, v15  }
0x161: {  	v14 =	vadd.s32 $0x41, v15;
	vm2 =	vgt.s32 v22, $0x0;
	v15 =	vnsel vm11, $0x0, v15  }
0x162: {  	v24 =	vmul.f32 v10, v24;
	v31 =	vmin.u32 v18, $0x1FF;
	v58 =	vmin.u32 v23, $0x1FF  }
0x163: {  	v59 =	vmin.u32 v26, $0x1FF;
	v18 =	vadd.s32 $0xFFFFFFF1, v25;
	v26 =	vand.u32 $0xFFFFFFF8, v19  }
0x164: {  	vm3 =	vgt.s32 v12, $0x0;
	vm4 =	vgt.s32 v14, $0x0;
	v22 =	vnsel vm2, $0x0, v22  }
0x165: {  	v10 =	vmin.u32 v15, $0x1FF;
	v23 =	vshll.u32 v31, $0x3;
	v63 =	vshll.u32 v58, $0x3  }
0x166: {  	v41 =	vshll.u32 v59, $0x3;
	v15 =	vmul.f32 v28, v30;
	vm1 =	vlt.u32 v18, $0x8  }
0x167: {  	v33 =	vand.u32 $0x7F, v31;
	v32 =	vand.u32 $0x7F, v58;
	v27 =	vnsel vm3, $0x0, v12  }
0x168: {  	v14 =	vnsel vm4, $0x0, v14;
	v12 =	vsub.f32 v29, v13;
	v29 =	vmin.u32 v17, $0x1FF  }
0x169: {  	v55 =	vmin.u32 v22, $0x1FF;
	v62 =	vshll.u32 v10, $0x3;
	v17 =	vmul.f32 v28, v24  }
0x16a: {  	v16 =	vmul.f32 v24, v20;
	vm3 =	veq.s32 v21, $0x10;
	v21 =	vand.u32 $0xC00, v23  }
0x16b: {  	s28 =	sadd.s32 $0x2, s28;
	v18 =	vand.u32 $0xC00, v63;
	v24 =	vand.u32 $0xC00, v41;
	v56 =	vmin.u32 v27, $0x1FF  }
0x16c: {  	p0 =	slt.s32 s28, s25;
	v57 =	vmin.u32 v14, $0x1FF;
	v22 =	vshll.u32 v29, $0x3;
	v25 =	vshll.u32 v55, $0x3  }
.Ltmp10:
0x16d: {  	v14 =	vmul.f32 v20, v30;
	v27 =	vadd.s32 $0xFFFFFFF1, v19;
	v28 =	vand.u32 $0x7F, v29;
	(pc) =	sbr.rel @p0 .LBB2_9-.Ltmp10, $4  }
0x16e: {  	v30 =	vand.u32 $0x7F, v55;
	v29 =	vand.u32 $0x7F, v59;
	v60 =	vshll.u32 v56, $0x3  }
0x16f: {  	v61 =	vshll.u32 v57, $0x3;
	v13 =	vsub.f32 $1.000000000e+00, v12;
	v20 =	vand.u32 $0xC00, v22  }
0x170: {  	v19 =	vand.u32 $0xC00, v25;
	v25 =	vand.u32 $0xC00, v62;
	v31 =	vand.u32 $0x7F, v56  }
0x171: {  	s29 =	sadd.s32 $0x20, s29;
	v34 =	vand.u32 $0x7F, v57;
	v22 =	vand.u32 $0xC00, v60;
	v23 =	vand.u32 $0xC00, v61  }
.LBB2_10:
0x172: {  	vm0 =	veq.s32 v26, $0x10  }
0x173: {  	vm2 =	vlt.u32 v27, $0x8;
	v9 =	vand.u32 $0x7F, v10;
	v52 =	vand.u32 $0xFFFFFFF8, v11  }
0x174: {  	vm3 =	vmand vm12, vm3;
	vm1 =	vmand vm12, vm1;
	v53 =	vadd.s32 $0xFFFFFFF1, v11  }
0x175: {  	v20 =	vor.u32 v20, v28;
	v21 =	vor.u32 v21, v33;
	v19 =	vor.u32 v19, v30  }
0x176: {  	v22 =	vor.u32 v22, v31;
	v23 =	vor.u32 v23, v34;
	v18 =	vor.u32 v18, v32  }
0x177: {  	v54 =	vor.u32 v24, v29;
	vm4 =	vmand vm3, vm0;
	vm5 =	veq.s32 v52, $0x10  }
0x178: {  	v9 =	vor.u32 v25, v9;
	vm6 =	vlt.u32 v53, $0x8;
	vm7 =	vmand vm4, vm5  }
0x179: {  	vm3 =	vmand vm3, vm2;
	v9 =	vor.u32 v8, v9;
	vm4 =	vmand vm4, vm6  }
0x17a: {  	v55 =	vmul.f32 v13, v17;
	v20 =	vor.u32 v8, v20;
	vm8 =	vmand vm3, vm5  }
0x17b: {  	vm0 =	vmand vm1, vm0;
	v21 =	vor.u32 v8, v21;
	vm3 =	vmand vm3, vm6  }
0x17c: {  	v56 =	vmul.f32 v17, v12;
	v19 =	vor.u32 v8, v19;
	vm15 =	vmand vm0, vm5  }
0x17d: {  	vm1 =	vmand vm1, vm2;
	v22 =	vor.u32 v8, v22;
	vm0 =	vmand vm0, vm6  }
0x17e: {  	v57 =	vmul.f32 v13, v16;
	v23 =	vor.u32 v8, v23;
	vm5 =	vmand vm1, vm5;
	[tilespmem:v9+s17+$0x0] =	vst.idx.add.f32.msk vm7, v55  }
0x17f: {  	v58 =	vmul.f32 v16, v12;
	v59 =	vor.u32 v8, v18;
	vm1 =	vmand vm1, vm6;
	[tilespmem:v20+s17+$0x0] =	vst.idx.add.f32.msk vm4, v56  }
0x180: {  	v60 =	vmul.f32 v13, v15;
	v8 =	vor.u32 v8, v54;
	[tilespmem:v21+s17+$0x0] =	vst.idx.add.f32.msk vm8, v57  }
0x181: {  	v61 =	vmul.f32 v15, v12;
	[tilespmem:v19+s17+$0x0] =	vst.idx.add.f32.msk vm3, v58  }
0x182: {  	v62 =	vmul.f32 v13, v14;
	[tilespmem:v22+s17+$0x0] =	vst.idx.add.f32.msk vm15, v60  }
0x183: {  	v63 =	vmul.f32 v12, v14;
	[tilespmem:v23+s17+$0x0] =	vst.idx.add.f32.msk vm0, v61  }
0x184: {  	[tilespmem:v59+s17+$0x0] =	vst.idx.add.f32.msk vm5, v62  }
0x185: {  	[tilespmem:v8+s17+$0x0] =	vst.idx.add.f32.msk vm1, v63  }
.LBB2_11:
0x186: {  	s0 =	ssub.s32 s24, s25  }
0x187: {  	p0 =	slt.s32 s0, $0x1  }
.Ltmp11:
0x188: {  	_ = 	snop;
	(pc) =	sbr.rel @p0 .LBB2_13-.Ltmp11, $1  }
0x189: {  	_ =	sdelay $0x3  }
0x18a: {  	s0 =	sshll.u32 s25, $0x4  }
0x18b: {  	v8 =	vld [tilespmem:s0+$0x5180];
	_ =	sdelay $0x4  }
0x18c: {  	v9 =	vor.u32 s0, v2;
	v10 =	vshll.u32 v8, $0x2  }
0x18d: {  	vm0 =	vlt.s32 v9, s23;
	v30 =	vand.u32 $0x7F, v8;
	v10 =	vand.u32 $0xE00, v10  }
0x18e: {  	v9 =	vor.u32 v30, v10  }
0x18f: {  	v10 =	vor.u32 $0x80, v9  }
0x190: {  	v11 =	vor.u32 $0x100, v9;
	_ =	sdelay $0x2  }
0x191: {  	v9 =	vld.idx.msk [tilespmem:v9+s11+$0x0], vm0  }
0x192: {  	v10 =	vld.idx.msk [tilespmem:v10+s11+$0x0], vm0  }
0x193: {  	v11 =	vld.idx.msk [tilespmem:v11+s11+$0x0], vm0;
	_ =	sdelay $0x2  }
0x194: {  	v5 =	vsub.f32 v9, v5  }
0x195: {  	v6 =	vsub.f32 v10, v6  }
0x196: {  	v7 =	vsub.f32 v11, v7;
	v9 =	vadd.f32 $1.600000000e+01, v5  }
0x197: {  	v4 =	vand.u32 $0x1000, v4;
	v10 =	vadd.f32 $1.600000000e+01, v6  }
0x198: {  	v3 =	vand.u32 $0x380, v3;
	v11 =	vadd.f32 $1.600000000e+01, v7;
	v9 =	vtrunc.f32 v9  }
0x199: {  	v3 =	vor.u32 v3, v4;
	v9 =	vcvt.f32.s32 v9;
	v10 =	vtrunc.f32 v10  }
0x19a: {  	v33 =	vand.u32 $0xFFFFFC00, v8;
	v11 =	vtrunc.f32 v11;
	v10 =	vcvt.f32.s32 v10  }
0x19b: {  	v11 =	vcvt.f32.s32 v11;
	v12 =	vadd.s32 $0xFFFFFFF0, v9;
	v38 =	vand.u32 $0xFFFFFFF8, v9  }
0x19c: {  	v9 =	vadd.s32 $0xFFFFFFF1, v9;
	v13 =	vadd.s32 $0xFFFFFFF0, v10;
	v14 =	vcvt.s32.f32 v12  }
0x19d: {  	v15 =	vadd.s32 $0xFFFFFFF0, v11;
	v12 =	vshll.u32 v12, $0x6;
	vm5 =	veq.s32 v38, $0x10  }
0x19e: {  	v39 =	vand.u32 $0xFFFFFFF8, v10;
	vm7 =	vlt.u32 v9, $0x8;
	v40 =	vadd.s32 $0xFFFFFFF1, v10  }
0x19f: {  	v41 =	vand.u32 $0xFFFFFFF8, v11;
	v42 =	vadd.s32 $0xFFFFFFF1, v11;
	v16 =	vcvt.s32.f32 v13  }
0x1a0: {  	v31 =	vcvt.s32.f32 v15;
	v13 =	vshll.u32 v13, $0x3;
	vm4 =	veq.s32 v39, $0x10  }
0x1a1: {  	vm3 =	vlt.u32 v40, $0x8;
	vm2 =	veq.s32 v41, $0x10;
	vm1 =	vlt.u32 v42, $0x8  }
0x1a2: {  	vm8 =	vmand vm0, vm5;
	vm0 =	vmand vm0, vm7;
	v5 =	vsub.f32 v5, v14  }
0x1a3: {  	v12 =	vadd.s32 v12, v13;
	vm10 =	vmand vm8, vm4;
	vm9 =	vmand vm8, vm3  }
0x1a4: {  	vm4 =	vmand vm0, vm4;
	vm0 =	vmand vm0, vm3;
	v32 =	vsub.f32 v6, v16  }
0x1a5: {  	v7 =	vsub.f32 v7, v31;
	v37 =	vadd.s32 v15, v12;
	vm5 =	vmand vm10, vm2  }
0x1a6: {  	v34 =	vsub.f32 $1.000000000e+00, v5;
	v5 =	vmul.f32 v33, v5;
	vm6 =	vgt.s32 v37, $0x0  }
0x1a7: {  	v45 =	vadd.s32 $0x1, v37;
	v49 =	vadd.s32 $0x8, v37;
	v17 =	vadd.s32 $0x9, v37  }
0x1a8: {  	v18 =	vadd.s32 $0x40, v37;
	v19 =	vadd.s32 $0x41, v37;
	v21 =	vadd.s32 $0x48, v37  }
0x1a9: {  	v6 =	vadd.s32 $0x49, v37;
	v35 =	vsub.f32 $1.000000000e+00, v32;
	v36 =	vsub.f32 $1.000000000e+00, v7  }
0x1aa: {  	v44 =	vnsel vm6, $0x0, v37;
	vm11 =	vgt.s32 v45, $0x0;
	vm6 =	vmand vm10, vm1  }
0x1ab: {  	vm12 =	vgt.s32 v49, $0x0;
	vm13 =	vgt.s32 v17, $0x0;
	vm14 =	vgt.s32 v18, $0x0  }
0x1ac: {  	vm15 =	vgt.s32 v19, $0x0;
	v8 =	vmul.f32 v33, v34;
	v10 =	vmin.u32 v44, $0x1FF  }
0x1ad: {  	v11 =	vnsel vm11, $0x0, v45;
	v17 =	vnsel vm13, $0x0, v17;
	v18 =	vnsel vm14, $0x0, v18  }
0x1ae: {  	v19 =	vnsel vm15, $0x0, v19;
	vm13 =	vgt.s32 v21, $0x0;
	vm14 =	vmand vm4, vm2  }
0x1af: {  	vm15 =	vgt.s32 v6, $0x0;
	vm4 =	vmand vm4, vm1;
	v4 =	vmul.f32 v32, v5  }
0x1b0: {  	v47 =	vshll.u32 v10, $0x3;
	v10 =	vand.u32 $0x7F, v10;
	v11 =	vmin.u32 v11, $0x1FF  }
0x1b1: {  	v17 =	vmin.u32 v17, $0x1FF;
	v18 =	vmin.u32 v18, $0x1FF;
	v19 =	vmin.u32 v19, $0x1FF  }
0x1b2: {  	v14 =	vmul.f32 v35, v5;
	v54 =	vnsel vm13, $0x0, v21;
	v6 =	vnsel vm15, $0x0, v6  }
0x1b3: {  	v43 =	vmul.f32 v35, v8;
	v13 =	vand.u32 $0xC00, v47;
	v48 =	vshll.u32 v11, $0x3  }
0x1b4: {  	v11 =	vand.u32 $0x7F, v11;
	v8 =	vmul.f32 v8, v32;
	v51 =	vshll.u32 v17, $0x3  }
0x1b5: {  	v17 =	vand.u32 $0x7F, v17;
	v52 =	vshll.u32 v18, $0x3;
	v18 =	vand.u32 $0x7F, v18  }
0x1b6: {  	v53 =	vshll.u32 v19, $0x3;
	v19 =	vand.u32 $0x7F, v19;
	v6 =	vmin.u32 v6, $0x1FF  }
0x1b7: {  	v10 =	vor.u32 v13, v10;
	v13 =	vand.u32 $0xC00, v48;
	v58 =	vshll.u32 v6, $0x3  }
0x1b8: {  	v6 =	vand.u32 $0x7F, v6;
	v11 =	vor.u32 v13, v11;
	v13 =	vnsel vm12, $0x0, v49  }
0x1b9: {  	v46 =	vmul.f32 v36, v43;
	v10 =	vor.u32 v3, v10;
	v13 =	vmin.u32 v13, $0x1FF  }
0x1ba: {  	v9 =	vmul.f32 v43, v7;
	v50 =	vmul.f32 v36, v8;
	v20 =	vshll.u32 v13, $0x3  }
0x1bb: {  	vm12 =	vmand vm9, vm2;
	v13 =	vand.u32 $0x7F, v13;
	v20 =	vand.u32 $0xC00, v20  }
0x1bc: {  	v8 =	vmul.f32 v8, v7;
	v13 =	vor.u32 v20, v13;
	v20 =	vand.u32 $0xC00, v51  }
0x1bd: {  	vm9 =	vmand vm9, vm1;
	v17 =	vor.u32 v20, v17;
	v20 =	vand.u32 $0xC00, v52  }
0x1be: {  	v11 =	vor.u32 v3, v11;
	v18 =	vor.u32 v20, v18;
	v20 =	vand.u32 $0xC00, v53  }
0x1bf: {  	v13 =	vor.u32 v3, v13;
	v19 =	vor.u32 v20, v19;
	v20 =	vmin.u32 v54, $0x1FF  }
0x1c0: {  	vm2 =	vmand vm0, vm2;
	v17 =	vor.u32 v3, v17;
	v55 =	vshll.u32 v20, $0x3  }
0x1c1: {  	v18 =	vor.u32 v3, v18;
	v20 =	vand.u32 $0x7F, v20;
	v21 =	vand.u32 $0xC00, v55  }
0x1c2: {  	v59 =	vand.u32 $0xC00, v58;
	[tilespmem:v10+s17+$0x0] =	vst.idx.add.f32.msk vm5, v46;
	v56 =	vor.u32 v3, v19;
	v57 =	vor.u32 v21, v20  }
0x1c3: {  	vm0 =	vmand vm0, vm1;
	v6 =	vor.u32 v59, v6;
	[tilespmem:v11+s17+$0x0] =	vst.idx.add.f32.msk vm6, v9;
	v60 =	vor.u32 v3, v57  }
0x1c4: {  	v61 =	vmul.f32 v36, v14;
	[tilespmem:v13+s17+$0x0] =	vst.idx.add.f32.msk vm12, v50;
	v3 =	vor.u32 v3, v6  }
.Ltmp12:
0x1c5: {  	v62 =	vmul.f32 v14, v7;
	[tilespmem:v17+s17+$0x0] =	vst.idx.add.f32.msk vm9, v8;
	(pc) =	sbr.rel .LBB2_13-.Ltmp12, $4  }
0x1c6: {  	v63 =	vmul.f32 v36, v4;
	[tilespmem:v18+s17+$0x0] =	vst.idx.add.f32.msk vm14, v61  }
0x1c7: {  	v4 =	vmul.f32 v7, v4;
	[tilespmem:v56+s17+$0x0] =	vst.idx.add.f32.msk vm4, v62  }
0x1c8: {  	[tilespmem:v60+s17+$0x0] =	vst.idx.add.f32.msk vm2, v63  }
0x1c9: {  	[tilespmem:v3+s17+$0x0] =	vst.idx.add.f32.msk vm0, v4  }
.LBB2_16:
0x1ca: {  	_ =	sfence.sel $0x180000  }
0x1cb: {  	[bflag:$0x0] =	sbarrier.arrive $0xFFFF  }
0x1cc: {  	_ =	strace $0x90000047  }
0x1cd: {  	s0 =	stileid.u32;
	[bflag:$0x2] =	sbarrier.arrive $0xFFFF  }
0x1ce: {  	p0 =	sne.s32 s0, $0x0;
	s0 =	rddreg [dreg:$0x2]  }
0x1cf: {  	s0 =	sadd.s32 @!p0 $0x100000, s0  }
0x1d0: {  	[sflag:s0] =	ssyncadd.tile.s32 @!p0 $0x1;
	_ =	shalt  }
.Lfunc_end2:
_tile_overlayer_lowered:
.L_overlay_start_2:
0x1d1: {  	(tag) =	ssettag $0x2  }
0x1d2: {  	s0 =	rddreg [dreg:$0x0];
	s2 =	stileid.u32  }
0x1d3: {  	s1 =	rddreg [dreg:$0x1];
	p0 =	sne.s32 s2, $0x0  }
0x1d4: {  	s3 =	rddreg [dreg:$0x2];
	[bflag:$0x3] =	sbarrier.arrive $0xFFFF;
	s2 =	simm.s32 @!p0 $0x1C01  }
0x1d5: {  	[timem:s3], [sflag:s2] =	dma.local @!p0 [hbm:s0], s1  }
0x1d6: {  	s0 =	simm.s32 @!p0 $0x1  }
0x1d7: {  	_ =	swait.ge @!p0 [sflag:s0], s1  }
0x1d8: {  	s1 =	ssub.s32 @!p0 $0x0, s1;
	[sflag:s0] =	ssyncset.done @!p0 $0x0  }
0x1d9: {  	[sflag:s0] =	ssyncadd.s32 @!p0 s1  }
0x1da: {  	[bflag:$0x3] =	sbarrier.arrive $0xFFFF  }
0x1db: {  	_ =	shalt  }

</sc_bundles>
